<compile_context>
chip_gen: v7x
topology: tpu7x:2x2x1
jax: 0.10.2.dev20260603
libtpu: 0.0.44.dev20260713+nightly
codegen_flags: <defaults>
</compile_context>

<pallas_src>
import numpy as np
import jax
import jax.numpy as jnp
from jax import lax
from jax.experimental import pallas as pl
from jax.experimental.pallas import tpu as pltpu
from jax.experimental.pallas import tpu_sc as plsc

_NUM_CORES = 2
_NUM_SUBCORES = 16
_NW = _NUM_CORES * _NUM_SUBCORES
_BATCH = 128


def _scatter_body(idx_hbm, win_hbm, val_hbm, out_ref, idx_v, win_v, gval_v,
                  gsem, ssem):
    c = lax.axis_index("c")
    s = lax.axis_index("s")
    wid = s * _NUM_CORES + c
    k = idx_v.shape[0]
    pltpu.sync_copy(idx_hbm.at[wid], idx_v)
    pltpu.sync_copy(win_hbm.at[wid], win_v)
    gets = [
        pltpu.make_async_copy(
            val_hbm.at[win_v.at[np.int32(j)]],
            gval_v.at[pl.ds(j * _BATCH, _BATCH)],
            gsem,
        )
        for j in range(k)
    ]
    for cp in gets:
        cp.start()
    for cp in gets:
        cp.wait()
    puts = [
        pltpu.make_async_copy(
            gval_v.at[pl.ds(j * _BATCH, _BATCH)],
            out_ref.at[idx_v.at[np.int32(j)]],
            ssem,
        )
        for j in range(k)
    ]
    for cp in puts:
        cp.start()
    for cp in puts:
        cp.wait()


def _route(idx32):
    b = idx32.shape[0]
    pos = jnp.arange(b, dtype=jnp.int32)
    sidx, perm = lax.sort((idx32, pos), num_keys=1, is_stable=True)
    is_end = jnp.concatenate(
        [sidx[1:] != sidx[:-1], jnp.ones((1,), jnp.bool_)])
    run_end = lax.cummin(jnp.where(is_end, pos, b), axis=0, reverse=True)
    wsort = perm[run_end]
    return sidx, wsort


def kernel(input, index, value):
    m, d = input.shape
    b = index.shape[0]
    per_w = b // _NW
    k = per_w // _BATCH

    in32 = lax.bitcast_convert_type(input, jnp.int32).reshape(m, 2 * d)
    val32 = lax.bitcast_convert_type(value, jnp.int32).reshape(b, 2 * d)
    idx32 = index.astype(jnp.int32)
    sidx, wsort = _route(idx32)
    idx3d = sidx.reshape(_NW, k, _BATCH)
    win3d = wsort.reshape(_NW, k, _BATCH)

    mesh = plsc.VectorSubcoreMesh(core_axis_name="c", subcore_axis_name="s")
    scatter = pl.kernel(
        _scatter_body,
        out_type=(),
        mesh=mesh,
        compiler_params=pltpu.CompilerParams(use_tc_tiling_on_sc=False),
        scratch_types=[
            pltpu.VMEM((k, _BATCH), jnp.int32),
            pltpu.VMEM((k, _BATCH), jnp.int32),
            pltpu.VMEM((per_w, 2 * d), jnp.int32),
            pltpu.SemaphoreType.DMA,
            pltpu.SemaphoreType.DMA,
        ],
    )

    out_ref = jax.new_ref(in32)
    scatter(idx3d, win3d, val32, out_ref)
    out32 = out_ref[...].reshape(m, d, 2)
    return lax.bitcast_convert_type(out32, jnp.int64)

# --- scband reference (transcript-rebuilt; emitter-appended) ---
"""Pipeline reference for scband-index-put-hacked-twin2-dint-non-accumulate-module-39444979647282 (READ-ONLY COPY).

The authoritative reference and input builder live on the scoring server;
editing this copy changes nothing except your own understanding.
"""

import jax, jax.numpy as jnp
import numpy as np

jax.config.update("jax_enable_x64", True)


def setup_inputs(seed: int = 0) -> dict:
    key = jax.random.key(seed)
    k1, k2, k3 = jax.random.split(key, 3)
    M, d, B = 1000000, 32, 16384
    inp = jax.random.randint(k1, (M, d), 0, 1000, dtype=jnp.int64)
    index = jax.random.randint(k2, (B,), 0, M, dtype=jnp.int64)
    value = jax.random.randint(k3, (B, d), 0, 1000, dtype=jnp.int64)
    return {"input": inp, "index": index, "value": value}


def reference(input, index, value):
    # torch.ops.aten.index_put(input, [index], value, accumulate=False)
    # -> scatter-overwrite along dim 0: out[index[i], :] = value[i, :]
    out = input.at[index].set(value)
    return out

if __name__ == "__main__":
    import jax
    _d = setup_inputs()
    print(jax.jit(kernel)(*tuple(_d.values())))

</pallas_src>

<mosaic_0001>
#map = affine_map<(d0, d1) -> (0, 0, 0)>
#map1 = affine_map<(d0, d1) -> (0, 0)>
module attributes {stable_mosaic.version = 14 : i64} {
  func.func @new_body(%arg0: i32, %arg1: i32, %arg2: memref<32x4x128xi32, #tpu.memory_space<hbm>>, %arg3: memref<32x4x128xi32, #tpu.memory_space<hbm>>, %arg4: memref<16384x64xi32, #tpu.memory_space<hbm>>, %arg5: memref<1000000x64xi32, #tpu.memory_space<hbm>>, %arg6: memref<1000000x64xi32, #tpu.memory_space<hbm>>, %arg7: memref<4x128xi32, #tpu.memory_space<vmem>>, %arg8: memref<4x128xi32, #tpu.memory_space<vmem>>, %arg9: memref<512x64xi32, #tpu.memory_space<vmem>>, %arg10: memref<!tpu.dma_semaphore, #tpu.memory_space<semaphore_mem>>, %arg11: memref<!tpu.dma_semaphore, #tpu.memory_space<semaphore_mem>>) attributes {dimension_semantics = [#tpu.dimension_semantics<core_parallel>, #tpu.dimension_semantics<subcore_parallel>], iteration_bounds = array<i64: 2, 16>, scalar_prefetch = 0 : i64, scratch_operands = 5 : i64, tpu.core_type = #tpu.core_type<sc_vector_subcore>, window_params = [{transform_indices = #map}, {transform_indices = #map}, {transform_indices = #map1}, {transform_indices = #map1}, {transform_indices = #map1}]} {
    %mul3A = arith.constant 2 : i32
    %mul3A_0 = arith.muli %arg1, %mul3A : i32
    %add3A = arith.addi %mul3A_0, %arg0 : i32
    "tpu.region"() ({
      %run_scoped3A = tpu.sem_alloc : memref<!tpu.dma_semaphore, #tpu.memory_space<semaphore_mem>>
      %dma_start3A_159 = arith.constant 0 : i32
      %dma_start3A_160 = arith.constant 0 : i32
      %dma_start3A_161 = tpu.memref_slice %arg2[%add3A, %dma_start3A_159, %dma_start3A_160] : memref<32x4x128xi32, #tpu.memory_space<hbm>> -> memref<1x4x128xi32, #tpu.memory_space<hbm>>
      %dma_start3A_162 = tpu.memref_squeeze %dma_start3A_161 : memref<1x4x128xi32, #tpu.memory_space<hbm>> -> memref<4x128xi32, #tpu.memory_space<hbm>>
      %dma_start3A_163 = arith.constant 0 : i32
      %dma_start3A_164 = arith.constant 0 : i32
      %dma_start3A_165 = tpu.memref_slice %arg2[%add3A, %dma_start3A_163, %dma_start3A_164] : memref<32x4x128xi32, #tpu.memory_space<hbm>> -> memref<1x4x128xi32, #tpu.memory_space<hbm>>
      %dma_start3A_166 = tpu.memref_squeeze %dma_start3A_165 : memref<1x4x128xi32, #tpu.memory_space<hbm>> -> memref<4x128xi32, #tpu.memory_space<hbm>>
      tpu.enqueue_dma source(%dma_start3A_166 : memref<4x128xi32, #tpu.memory_space<hbm>>) target(%arg7 : memref<4x128xi32, #tpu.memory_space<vmem>>) target_semaphore(%run_scoped3A : memref<!tpu.dma_semaphore, #tpu.memory_space<semaphore_mem>>)
      %dma_wait3A_167 = arith.constant 0 : i32
      %dma_wait3A_168 = arith.constant 0 : i32
      %dma_wait3A_169 = tpu.memref_slice %arg2[%add3A, %dma_wait3A_167, %dma_wait3A_168] : memref<32x4x128xi32, #tpu.memory_space<hbm>> -> memref<1x4x128xi32, #tpu.memory_space<hbm>>
      %dma_wait3A_170 = tpu.memref_squeeze %dma_wait3A_169 : memref<1x4x128xi32, #tpu.memory_space<hbm>> -> memref<4x128xi32, #tpu.memory_space<hbm>>
      %dma_wait3A_171 = arith.constant 0 : i32
      %dma_wait3A_172 = arith.constant 0 : i32
      %dma_wait3A_173 = tpu.memref_slice %arg2[%add3A, %dma_wait3A_171, %dma_wait3A_172] : memref<32x4x128xi32, #tpu.memory_space<hbm>> -> memref<1x4x128xi32, #tpu.memory_space<hbm>>
      %dma_wait3A_174 = tpu.memref_squeeze %dma_wait3A_173 : memref<1x4x128xi32, #tpu.memory_space<hbm>> -> memref<4x128xi32, #tpu.memory_space<hbm>>
      tpu.wait_dma2 semaphore(%run_scoped3A : memref<!tpu.dma_semaphore, #tpu.memory_space<semaphore_mem>>) src(%dma_wait3A_174 : memref<4x128xi32, #tpu.memory_space<hbm>>) dst(%arg7 : memref<4x128xi32, #tpu.memory_space<vmem>>)
      tpu.yield
    }) : () -> ()
    "tpu.region"() ({
      %run_scoped3A = tpu.sem_alloc : memref<!tpu.dma_semaphore, #tpu.memory_space<semaphore_mem>>
      %dma_start3A_159 = arith.constant 0 : i32
      %dma_start3A_160 = arith.constant 0 : i32
      %dma_start3A_161 = tpu.memref_slice %arg3[%add3A, %dma_start3A_159, %dma_start3A_160] : memref<32x4x128xi32, #tpu.memory_space<hbm>> -> memref<1x4x128xi32, #tpu.memory_space<hbm>>
      %dma_start3A_162 = tpu.memref_squeeze %dma_start3A_161 : memref<1x4x128xi32, #tpu.memory_space<hbm>> -> memref<4x128xi32, #tpu.memory_space<hbm>>
      %dma_start3A_163 = arith.constant 0 : i32
      %dma_start3A_164 = arith.constant 0 : i32
      %dma_start3A_165 = tpu.memref_slice %arg3[%add3A, %dma_start3A_163, %dma_start3A_164] : memref<32x4x128xi32, #tpu.memory_space<hbm>> -> memref<1x4x128xi32, #tpu.memory_space<hbm>>
      %dma_start3A_166 = tpu.memref_squeeze %dma_start3A_165 : memref<1x4x128xi32, #tpu.memory_space<hbm>> -> memref<4x128xi32, #tpu.memory_space<hbm>>
      tpu.enqueue_dma source(%dma_start3A_166 : memref<4x128xi32, #tpu.memory_space<hbm>>) target(%arg8 : memref<4x128xi32, #tpu.memory_space<vmem>>) target_semaphore(%run_scoped3A : memref<!tpu.dma_semaphore, #tpu.memory_space<semaphore_mem>>)
      %dma_wait3A_167 = arith.constant 0 : i32
      %dma_wait3A_168 = arith.constant 0 : i32
      %dma_wait3A_169 = tpu.memref_slice %arg3[%add3A, %dma_wait3A_167, %dma_wait3A_168] : memref<32x4x128xi32, #tpu.memory_space<hbm>> -> memref<1x4x128xi32, #tpu.memory_space<hbm>>
      %dma_wait3A_170 = tpu.memref_squeeze %dma_wait3A_169 : memref<1x4x128xi32, #tpu.memory_space<hbm>> -> memref<4x128xi32, #tpu.memory_space<hbm>>
      %dma_wait3A_171 = arith.constant 0 : i32
      %dma_wait3A_172 = arith.constant 0 : i32
      %dma_wait3A_173 = tpu.memref_slice %arg3[%add3A, %dma_wait3A_171, %dma_wait3A_172] : memref<32x4x128xi32, #tpu.memory_space<hbm>> -> memref<1x4x128xi32, #tpu.memory_space<hbm>>
      %dma_wait3A_174 = tpu.memref_squeeze %dma_wait3A_173 : memref<1x4x128xi32, #tpu.memory_space<hbm>> -> memref<4x128xi32, #tpu.memory_space<hbm>>
      tpu.wait_dma2 semaphore(%run_scoped3A : memref<!tpu.dma_semaphore, #tpu.memory_space<semaphore_mem>>) src(%dma_wait3A_174 : memref<4x128xi32, #tpu.memory_space<hbm>>) dst(%arg8 : memref<4x128xi32, #tpu.memory_space<vmem>>)
      tpu.yield
    }) : () -> ()
    %dma_start3A = arith.constant 0 : i32
    %dma_start3A_1 = arith.constant 0 : i32
    %dma_start3A_2 = arith.constant 0 : i32
    %dma_start3A_3 = tpu.memref_slice %arg9[%dma_start3A_1, %dma_start3A_2] : memref<512x64xi32, #tpu.memory_space<vmem>> -> memref<128x64xi32, #tpu.memory_space<vmem>>
    %dma_start3A_4 = arith.constant 0 : i32
    %dma_start3A_5 = tpu.memref_slice %arg8[%dma_start3A, %dma_start3A_4] : memref<4x128xi32, #tpu.memory_space<vmem>> -> memref<1x128xi32, #tpu.memory_space<vmem>>
    %dma_start3A_6 = tpu.memref_squeeze %dma_start3A_5 : memref<1x128xi32, #tpu.memory_space<vmem>> -> memref<128xi32, #tpu.memory_space<vmem>>
    %dma_start3A_7 = arith.constant 0 : i32
    %dma_start3A_8 = arith.constant 0 : i32
    %dma_start3A_9 = tpu.memref_slice %arg4[%dma_start3A_7, %dma_start3A_8] : memref<16384x64xi32, #tpu.memory_space<hbm>> -> memref<16384x64xi32, #tpu.memory_space<hbm>>
    tpu.enqueue_indirect_dma source(%dma_start3A_9 : memref<16384x64xi32, #tpu.memory_space<hbm>>) target(%dma_start3A_3 : memref<128x64xi32, #tpu.memory_space<vmem>>) offsets(%dma_start3A_6 : memref<128xi32, #tpu.memory_space<vmem>>) semaphore(%arg10 : memref<!tpu.dma_semaphore, #tpu.memory_space<semaphore_mem>>)
    %dma_start3A_10 = arith.constant 1 : i32
    %dma_start3A_11 = arith.constant 128 : i32
    %dma_start3A_12 = arith.constant 0 : i32
    %dma_start3A_13 = tpu.memref_slice %arg9[%dma_start3A_11, %dma_start3A_12] : memref<512x64xi32, #tpu.memory_space<vmem>> -> memref<128x64xi32, #tpu.memory_space<vmem>>
    %dma_start3A_14 = arith.constant 0 : i32
    %dma_start3A_15 = tpu.memref_slice %arg8[%dma_start3A_10, %dma_start3A_14] : memref<4x128xi32, #tpu.memory_space<vmem>> -> memref<1x128xi32, #tpu.memory_space<vmem>>
    %dma_start3A_16 = tpu.memref_squeeze %dma_start3A_15 : memref<1x128xi32, #tpu.memory_space<vmem>> -> memref<128xi32, #tpu.memory_space<vmem>>
    %dma_start3A_17 = arith.constant 0 : i32
    %dma_start3A_18 = arith.constant 0 : i32
    %dma_start3A_19 = tpu.memref_slice %arg4[%dma_start3A_17, %dma_start3A_18] : memref<16384x64xi32, #tpu.memory_space<hbm>> -> memref<16384x64xi32, #tpu.memory_space<hbm>>
    tpu.enqueue_indirect_dma source(%dma_start3A_19 : memref<16384x64xi32, #tpu.memory_space<hbm>>) target(%dma_start3A_13 : memref<128x64xi32, #tpu.memory_space<vmem>>) offsets(%dma_start3A_16 : memref<128xi32, #tpu.memory_space<vmem>>) semaphore(%arg10 : memref<!tpu.dma_semaphore, #tpu.memory_space<semaphore_mem>>)
    %dma_start3A_20 = arith.constant 2 : i32
    %dma_start3A_21 = arith.constant 256 : i32
    %dma_start3A_22 = arith.constant 0 : i32
    %dma_start3A_23 = tpu.memref_slice %arg9[%dma_start3A_21, %dma_start3A_22] : memref<512x64xi32, #tpu.memory_space<vmem>> -> memref<128x64xi32, #tpu.memory_space<vmem>>
    %dma_start3A_24 = arith.constant 0 : i32
    %dma_start3A_25 = tpu.memref_slice %arg8[%dma_start3A_20, %dma_start3A_24] : memref<4x128xi32, #tpu.memory_space<vmem>> -> memref<1x128xi32, #tpu.memory_space<vmem>>
    %dma_start3A_26 = tpu.memref_squeeze %dma_start3A_25 : memref<1x128xi32, #tpu.memory_space<vmem>> -> memref<128xi32, #tpu.memory_space<vmem>>
    %dma_start3A_27 = arith.constant 0 : i32
    %dma_start3A_28 = arith.constant 0 : i32
    %dma_start3A_29 = tpu.memref_slice %arg4[%dma_start3A_27, %dma_start3A_28] : memref<16384x64xi32, #tpu.memory_space<hbm>> -> memref<16384x64xi32, #tpu.memory_space<hbm>>
    tpu.enqueue_indirect_dma source(%dma_start3A_29 : memref<16384x64xi32, #tpu.memory_space<hbm>>) target(%dma_start3A_23 : memref<128x64xi32, #tpu.memory_space<vmem>>) offsets(%dma_start3A_26 : memref<128xi32, #tpu.memory_space<vmem>>) semaphore(%arg10 : memref<!tpu.dma_semaphore, #tpu.memory_space<semaphore_mem>>)
    %dma_start3A_30 = arith.constant 3 : i32
    %dma_start3A_31 = arith.constant 384 : i32
    %dma_start3A_32 = arith.constant 0 : i32
    %dma_start3A_33 = tpu.memref_slice %arg9[%dma_start3A_31, %dma_start3A_32] : memref<512x64xi32, #tpu.memory_space<vmem>> -> memref<128x64xi32, #tpu.memory_space<vmem>>
    %dma_start3A_34 = arith.constant 0 : i32
    %dma_start3A_35 = tpu.memref_slice %arg8[%dma_start3A_30, %dma_start3A_34] : memref<4x128xi32, #tpu.memory_space<vmem>> -> memref<1x128xi32, #tpu.memory_space<vmem>>
    %dma_start3A_36 = tpu.memref_squeeze %dma_start3A_35 : memref<1x128xi32, #tpu.memory_space<vmem>> -> memref<128xi32, #tpu.memory_space<vmem>>
    %dma_start3A_37 = arith.constant 0 : i32
    %dma_start3A_38 = arith.constant 0 : i32
    %dma_start3A_39 = tpu.memref_slice %arg4[%dma_start3A_37, %dma_start3A_38] : memref<16384x64xi32, #tpu.memory_space<hbm>> -> memref<16384x64xi32, #tpu.memory_space<hbm>>
    tpu.enqueue_indirect_dma source(%dma_start3A_39 : memref<16384x64xi32, #tpu.memory_space<hbm>>) target(%dma_start3A_33 : memref<128x64xi32, #tpu.memory_space<vmem>>) offsets(%dma_start3A_36 : memref<128xi32, #tpu.memory_space<vmem>>) semaphore(%arg10 : memref<!tpu.dma_semaphore, #tpu.memory_space<semaphore_mem>>)
    %dma_wait3A = arith.constant 0 : i32
    %dma_wait3A_40 = arith.constant 0 : i32
    %dma_wait3A_41 = arith.constant 0 : i32
    %dma_wait3A_42 = tpu.memref_slice %arg9[%dma_wait3A_40, %dma_wait3A_41] : memref<512x64xi32, #tpu.memory_space<vmem>> -> memref<128x64xi32, #tpu.memory_space<vmem>>
    %dma_wait3A_43 = arith.constant 0 : i32
    %dma_wait3A_44 = tpu.memref_slice %arg8[%dma_wait3A, %dma_wait3A_43] : memref<4x128xi32, #tpu.memory_space<vmem>> -> memref<1x128xi32, #tpu.memory_space<vmem>>
    %dma_wait3A_45 = tpu.memref_squeeze %dma_wait3A_44 : memref<1x128xi32, #tpu.memory_space<vmem>> -> memref<128xi32, #tpu.memory_space<vmem>>
    %dma_wait3A_46 = arith.constant 0 : i32
    %dma_wait3A_47 = arith.constant 0 : i32
    %dma_wait3A_48 = tpu.memref_slice %arg4[%dma_wait3A_46, %dma_wait3A_47] : memref<16384x64xi32, #tpu.memory_space<hbm>> -> memref<16384x64xi32, #tpu.memory_space<hbm>>
    tpu.wait_indirect_dma semaphore(%arg10 : memref<!tpu.dma_semaphore, #tpu.memory_space<semaphore_mem>>) src(%dma_wait3A_48 : memref<16384x64xi32, #tpu.memory_space<hbm>>) dst(%dma_wait3A_42 : memref<128x64xi32, #tpu.memory_space<vmem>>)
    %dma_wait3A_49 = arith.constant 1 : i32
    %dma_wait3A_50 = arith.constant 128 : i32
    %dma_wait3A_51 = arith.constant 0 : i32
    %dma_wait3A_52 = tpu.memref_slice %arg9[%dma_wait3A_50, %dma_wait3A_51] : memref<512x64xi32, #tpu.memory_space<vmem>> -> memref<128x64xi32, #tpu.memory_space<vmem>>
    %dma_wait3A_53 = arith.constant 0 : i32
    %dma_wait3A_54 = tpu.memref_slice %arg8[%dma_wait3A_49, %dma_wait3A_53] : memref<4x128xi32, #tpu.memory_space<vmem>> -> memref<1x128xi32, #tpu.memory_space<vmem>>
    %dma_wait3A_55 = tpu.memref_squeeze %dma_wait3A_54 : memref<1x128xi32, #tpu.memory_space<vmem>> -> memref<128xi32, #tpu.memory_space<vmem>>
    %dma_wait3A_56 = arith.constant 0 : i32
    %dma_wait3A_57 = arith.constant 0 : i32
    %dma_wait3A_58 = tpu.memref_slice %arg4[%dma_wait3A_56, %dma_wait3A_57] : memref<16384x64xi32, #tpu.memory_space<hbm>> -> memref<16384x64xi32, #tpu.memory_space<hbm>>
    tpu.wait_indirect_dma semaphore(%arg10 : memref<!tpu.dma_semaphore, #tpu.memory_space<semaphore_mem>>) src(%dma_wait3A_58 : memref<16384x64xi32, #tpu.memory_space<hbm>>) dst(%dma_wait3A_52 : memref<128x64xi32, #tpu.memory_space<vmem>>)
    %dma_wait3A_59 = arith.constant 2 : i32
    %dma_wait3A_60 = arith.constant 256 : i32
    %dma_wait3A_61 = arith.constant 0 : i32
    %dma_wait3A_62 = tpu.memref_slice %arg9[%dma_wait3A_60, %dma_wait3A_61] : memref<512x64xi32, #tpu.memory_space<vmem>> -> memref<128x64xi32, #tpu.memory_space<vmem>>
    %dma_wait3A_63 = arith.constant 0 : i32
    %dma_wait3A_64 = tpu.memref_slice %arg8[%dma_wait3A_59, %dma_wait3A_63] : memref<4x128xi32, #tpu.memory_space<vmem>> -> memref<1x128xi32, #tpu.memory_space<vmem>>
    %dma_wait3A_65 = tpu.memref_squeeze %dma_wait3A_64 : memref<1x128xi32, #tpu.memory_space<vmem>> -> memref<128xi32, #tpu.memory_space<vmem>>
    %dma_wait3A_66 = arith.constant 0 : i32
    %dma_wait3A_67 = arith.constant 0 : i32
    %dma_wait3A_68 = tpu.memref_slice %arg4[%dma_wait3A_66, %dma_wait3A_67] : memref<16384x64xi32, #tpu.memory_space<hbm>> -> memref<16384x64xi32, #tpu.memory_space<hbm>>
    tpu.wait_indirect_dma semaphore(%arg10 : memref<!tpu.dma_semaphore, #tpu.memory_space<semaphore_mem>>) src(%dma_wait3A_68 : memref<16384x64xi32, #tpu.memory_space<hbm>>) dst(%dma_wait3A_62 : memref<128x64xi32, #tpu.memory_space<vmem>>)
    %dma_wait3A_69 = arith.constant 3 : i32
    %dma_wait3A_70 = arith.constant 384 : i32
    %dma_wait3A_71 = arith.constant 0 : i32
    %dma_wait3A_72 = tpu.memref_slice %arg9[%dma_wait3A_70, %dma_wait3A_71] : memref<512x64xi32, #tpu.memory_space<vmem>> -> memref<128x64xi32, #tpu.memory_space<vmem>>
    %dma_wait3A_73 = arith.constant 0 : i32
    %dma_wait3A_74 = tpu.memref_slice %arg8[%dma_wait3A_69, %dma_wait3A_73] : memref<4x128xi32, #tpu.memory_space<vmem>> -> memref<1x128xi32, #tpu.memory_space<vmem>>
    %dma_wait3A_75 = tpu.memref_squeeze %dma_wait3A_74 : memref<1x128xi32, #tpu.memory_space<vmem>> -> memref<128xi32, #tpu.memory_space<vmem>>
    %dma_wait3A_76 = arith.constant 0 : i32
    %dma_wait3A_77 = arith.constant 0 : i32
    %dma_wait3A_78 = tpu.memref_slice %arg4[%dma_wait3A_76, %dma_wait3A_77] : memref<16384x64xi32, #tpu.memory_space<hbm>> -> memref<16384x64xi32, #tpu.memory_space<hbm>>
    tpu.wait_indirect_dma semaphore(%arg10 : memref<!tpu.dma_semaphore, #tpu.memory_space<semaphore_mem>>) src(%dma_wait3A_78 : memref<16384x64xi32, #tpu.memory_space<hbm>>) dst(%dma_wait3A_72 : memref<128x64xi32, #tpu.memory_space<vmem>>)
    %dma_start3A_79 = arith.constant 0 : i32
    %dma_start3A_80 = arith.constant 0 : i32
    %dma_start3A_81 = arith.constant 0 : i32
    %dma_start3A_82 = tpu.memref_slice %arg9[%dma_start3A_80, %dma_start3A_81] : memref<512x64xi32, #tpu.memory_space<vmem>> -> memref<128x64xi32, #tpu.memory_space<vmem>>
    %dma_start3A_83 = arith.constant 0 : i32
    %dma_start3A_84 = tpu.memref_slice %arg7[%dma_start3A_79, %dma_start3A_83] : memref<4x128xi32, #tpu.memory_space<vmem>> -> memref<1x128xi32, #tpu.memory_space<vmem>>
    %dma_start3A_85 = tpu.memref_squeeze %dma_start3A_84 : memref<1x128xi32, #tpu.memory_space<vmem>> -> memref<128xi32, #tpu.memory_space<vmem>>
    %dma_start3A_86 = arith.constant 0 : i32
    %dma_start3A_87 = arith.constant 0 : i32
    %dma_start3A_88 = tpu.memref_slice %arg5[%dma_start3A_86, %dma_start3A_87] : memref<1000000x64xi32, #tpu.memory_space<hbm>> -> memref<1000000x64xi32, #tpu.memory_space<hbm>>
    tpu.enqueue_indirect_dma source(%dma_start3A_82 : memref<128x64xi32, #tpu.memory_space<vmem>>) target(%dma_start3A_88 : memref<1000000x64xi32, #tpu.memory_space<hbm>>) offsets(%dma_start3A_85 : memref<128xi32, #tpu.memory_space<vmem>>) semaphore(%arg11 : memref<!tpu.dma_semaphore, #tpu.memory_space<semaphore_mem>>)
    %dma_start3A_89 = arith.constant 1 : i32
    %dma_start3A_90 = arith.constant 128 : i32
    %dma_start3A_91 = arith.constant 0 : i32
    %dma_start3A_92 = tpu.memref_slice %arg9[%dma_start3A_90, %dma_start3A_91] : memref<512x64xi32, #tpu.memory_space<vmem>> -> memref<128x64xi32, #tpu.memory_space<vmem>>
    %dma_start3A_93 = arith.constant 0 : i32
    %dma_start3A_94 = tpu.memref_slice %arg7[%dma_start3A_89, %dma_start3A_93] : memref<4x128xi32, #tpu.memory_space<vmem>> -> memref<1x128xi32, #tpu.memory_space<vmem>>
    %dma_start3A_95 = tpu.memref_squeeze %dma_start3A_94 : memref<1x128xi32, #tpu.memory_space<vmem>> -> memref<128xi32, #tpu.memory_space<vmem>>
    %dma_start3A_96 = arith.constant 0 : i32
    %dma_start3A_97 = arith.constant 0 : i32
    %dma_start3A_98 = tpu.memref_slice %arg5[%dma_start3A_96, %dma_start3A_97] : memref<1000000x64xi32, #tpu.memory_space<hbm>> -> memref<1000000x64xi32, #tpu.memory_space<hbm>>
    tpu.enqueue_indirect_dma source(%dma_start3A_92 : memref<128x64xi32, #tpu.memory_space<vmem>>) target(%dma_start3A_98 : memref<1000000x64xi32, #tpu.memory_space<hbm>>) offsets(%dma_start3A_95 : memref<128xi32, #tpu.memory_space<vmem>>) semaphore(%arg11 : memref<!tpu.dma_semaphore, #tpu.memory_space<semaphore_mem>>)
    %dma_start3A_99 = arith.constant 2 : i32
    %dma_start3A_100 = arith.constant 256 : i32
    %dma_start3A_101 = arith.constant 0 : i32
    %dma_start3A_102 = tpu.memref_slice %arg9[%dma_start3A_100, %dma_start3A_101] : memref<512x64xi32, #tpu.memory_space<vmem>> -> memref<128x64xi32, #tpu.memory_space<vmem>>
    %dma_start3A_103 = arith.constant 0 : i32
    %dma_start3A_104 = tpu.memref_slice %arg7[%dma_start3A_99, %dma_start3A_103] : memref<4x128xi32, #tpu.memory_space<vmem>> -> memref<1x128xi32, #tpu.memory_space<vmem>>
    %dma_start3A_105 = tpu.memref_squeeze %dma_start3A_104 : memref<1x128xi32, #tpu.memory_space<vmem>> -> memref<128xi32, #tpu.memory_space<vmem>>
    %dma_start3A_106 = arith.constant 0 : i32
    %dma_start3A_107 = arith.constant 0 : i32
    %dma_start3A_108 = tpu.memref_slice %arg5[%dma_start3A_106, %dma_start3A_107] : memref<1000000x64xi32, #tpu.memory_space<hbm>> -> memref<1000000x64xi32, #tpu.memory_space<hbm>>
    tpu.enqueue_indirect_dma source(%dma_start3A_102 : memref<128x64xi32, #tpu.memory_space<vmem>>) target(%dma_start3A_108 : memref<1000000x64xi32, #tpu.memory_space<hbm>>) offsets(%dma_start3A_105 : memref<128xi32, #tpu.memory_space<vmem>>) semaphore(%arg11 : memref<!tpu.dma_semaphore, #tpu.memory_space<semaphore_mem>>)
    %dma_start3A_109 = arith.constant 3 : i32
    %dma_start3A_110 = arith.constant 384 : i32
    %dma_start3A_111 = arith.constant 0 : i32
    %dma_start3A_112 = tpu.memref_slice %arg9[%dma_start3A_110, %dma_start3A_111] : memref<512x64xi32, #tpu.memory_space<vmem>> -> memref<128x64xi32, #tpu.memory_space<vmem>>
    %dma_start3A_113 = arith.constant 0 : i32
    %dma_start3A_114 = tpu.memref_slice %arg7[%dma_start3A_109, %dma_start3A_113] : memref<4x128xi32, #tpu.memory_space<vmem>> -> memref<1x128xi32, #tpu.memory_space<vmem>>
    %dma_start3A_115 = tpu.memref_squeeze %dma_start3A_114 : memref<1x128xi32, #tpu.memory_space<vmem>> -> memref<128xi32, #tpu.memory_space<vmem>>
    %dma_start3A_116 = arith.constant 0 : i32
    %dma_start3A_117 = arith.constant 0 : i32
    %dma_start3A_118 = tpu.memref_slice %arg5[%dma_start3A_116, %dma_start3A_117] : memref<1000000x64xi32, #tpu.memory_space<hbm>> -> memref<1000000x64xi32, #tpu.memory_space<hbm>>
    tpu.enqueue_indirect_dma source(%dma_start3A_112 : memref<128x64xi32, #tpu.memory_space<vmem>>) target(%dma_start3A_118 : memref<1000000x64xi32, #tpu.memory_space<hbm>>) offsets(%dma_start3A_115 : memref<128xi32, #tpu.memory_space<vmem>>) semaphore(%arg11 : memref<!tpu.dma_semaphore, #tpu.memory_space<semaphore_mem>>)
    %dma_wait3A_119 = arith.constant 0 : i32
    %dma_wait3A_120 = arith.constant 0 : i32
    %dma_wait3A_121 = arith.constant 0 : i32
    %dma_wait3A_122 = tpu.memref_slice %arg9[%dma_wait3A_120, %dma_wait3A_121] : memref<512x64xi32, #tpu.memory_space<vmem>> -> memref<128x64xi32, #tpu.memory_space<vmem>>
    %dma_wait3A_123 = arith.constant 0 : i32
    %dma_wait3A_124 = tpu.memref_slice %arg7[%dma_wait3A_119, %dma_wait3A_123] : memref<4x128xi32, #tpu.memory_space<vmem>> -> memref<1x128xi32, #tpu.memory_space<vmem>>
    %dma_wait3A_125 = tpu.memref_squeeze %dma_wait3A_124 : memref<1x128xi32, #tpu.memory_space<vmem>> -> memref<128xi32, #tpu.memory_space<vmem>>
    %dma_wait3A_126 = arith.constant 0 : i32
    %dma_wait3A_127 = arith.constant 0 : i32
    %dma_wait3A_128 = tpu.memref_slice %arg5[%dma_wait3A_126, %dma_wait3A_127] : memref<1000000x64xi32, #tpu.memory_space<hbm>> -> memref<1000000x64xi32, #tpu.memory_space<hbm>>
    tpu.wait_indirect_dma semaphore(%arg11 : memref<!tpu.dma_semaphore, #tpu.memory_space<semaphore_mem>>) src(%dma_wait3A_122 : memref<128x64xi32, #tpu.memory_space<vmem>>) dst(%dma_wait3A_128 : memref<1000000x64xi32, #tpu.memory_space<hbm>>)
    %dma_wait3A_129 = arith.constant 1 : i32
    %dma_wait3A_130 = arith.constant 128 : i32
    %dma_wait3A_131 = arith.constant 0 : i32
    %dma_wait3A_132 = tpu.memref_slice %arg9[%dma_wait3A_130, %dma_wait3A_131] : memref<512x64xi32, #tpu.memory_space<vmem>> -> memref<128x64xi32, #tpu.memory_space<vmem>>
    %dma_wait3A_133 = arith.constant 0 : i32
    %dma_wait3A_134 = tpu.memref_slice %arg7[%dma_wait3A_129, %dma_wait3A_133] : memref<4x128xi32, #tpu.memory_space<vmem>> -> memref<1x128xi32, #tpu.memory_space<vmem>>
    %dma_wait3A_135 = tpu.memref_squeeze %dma_wait3A_134 : memref<1x128xi32, #tpu.memory_space<vmem>> -> memref<128xi32, #tpu.memory_space<vmem>>
    %dma_wait3A_136 = arith.constant 0 : i32
    %dma_wait3A_137 = arith.constant 0 : i32
    %dma_wait3A_138 = tpu.memref_slice %arg5[%dma_wait3A_136, %dma_wait3A_137] : memref<1000000x64xi32, #tpu.memory_space<hbm>> -> memref<1000000x64xi32, #tpu.memory_space<hbm>>
    tpu.wait_indirect_dma semaphore(%arg11 : memref<!tpu.dma_semaphore, #tpu.memory_space<semaphore_mem>>) src(%dma_wait3A_132 : memref<128x64xi32, #tpu.memory_space<vmem>>) dst(%dma_wait3A_138 : memref<1000000x64xi32, #tpu.memory_space<hbm>>)
    %dma_wait3A_139 = arith.constant 2 : i32
    %dma_wait3A_140 = arith.constant 256 : i32
    %dma_wait3A_141 = arith.constant 0 : i32
    %dma_wait3A_142 = tpu.memref_slice %arg9[%dma_wait3A_140, %dma_wait3A_141] : memref<512x64xi32, #tpu.memory_space<vmem>> -> memref<128x64xi32, #tpu.memory_space<vmem>>
    %dma_wait3A_143 = arith.constant 0 : i32
    %dma_wait3A_144 = tpu.memref_slice %arg7[%dma_wait3A_139, %dma_wait3A_143] : memref<4x128xi32, #tpu.memory_space<vmem>> -> memref<1x128xi32, #tpu.memory_space<vmem>>
    %dma_wait3A_145 = tpu.memref_squeeze %dma_wait3A_144 : memref<1x128xi32, #tpu.memory_space<vmem>> -> memref<128xi32, #tpu.memory_space<vmem>>
    %dma_wait3A_146 = arith.constant 0 : i32
    %dma_wait3A_147 = arith.constant 0 : i32
    %dma_wait3A_148 = tpu.memref_slice %arg5[%dma_wait3A_146, %dma_wait3A_147] : memref<1000000x64xi32, #tpu.memory_space<hbm>> -> memref<1000000x64xi32, #tpu.memory_space<hbm>>
    tpu.wait_indirect_dma semaphore(%arg11 : memref<!tpu.dma_semaphore, #tpu.memory_space<semaphore_mem>>) src(%dma_wait3A_142 : memref<128x64xi32, #tpu.memory_space<vmem>>) dst(%dma_wait3A_148 : memref<1000000x64xi32, #tpu.memory_space<hbm>>)
    %dma_wait3A_149 = arith.constant 3 : i32
    %dma_wait3A_150 = arith.constant 384 : i32
    %dma_wait3A_151 = arith.constant 0 : i32
    %dma_wait3A_152 = tpu.memref_slice %arg9[%dma_wait3A_150, %dma_wait3A_151] : memref<512x64xi32, #tpu.memory_space<vmem>> -> memref<128x64xi32, #tpu.memory_space<vmem>>
    %dma_wait3A_153 = arith.constant 0 : i32
    %dma_wait3A_154 = tpu.memref_slice %arg7[%dma_wait3A_149, %dma_wait3A_153] : memref<4x128xi32, #tpu.memory_space<vmem>> -> memref<1x128xi32, #tpu.memory_space<vmem>>
    %dma_wait3A_155 = tpu.memref_squeeze %dma_wait3A_154 : memref<1x128xi32, #tpu.memory_space<vmem>> -> memref<128xi32, #tpu.memory_space<vmem>>
    %dma_wait3A_156 = arith.constant 0 : i32
    %dma_wait3A_157 = arith.constant 0 : i32
    %dma_wait3A_158 = tpu.memref_slice %arg5[%dma_wait3A_156, %dma_wait3A_157] : memref<1000000x64xi32, #tpu.memory_space<hbm>> -> memref<1000000x64xi32, #tpu.memory_space<hbm>>
    tpu.wait_indirect_dma semaphore(%arg11 : memref<!tpu.dma_semaphore, #tpu.memory_space<semaphore_mem>>) src(%dma_wait3A_152 : memref<128x64xi32, #tpu.memory_space<vmem>>) dst(%dma_wait3A_158 : memref<1000000x64xi32, #tpu.memory_space<hbm>>)
    return
  }
}

</mosaic_0001>

<sc_bundles>
// kernel: gather_offload_async_start
scs
__scs_entry_jumppad:
0x0: {  	(pc) =	sbr.rel $0x88, $3  }
0x1: {  	(tag) =	ssettag $0x0;
	lr =	simm.s32 $0x1  }
0x2: {  	[smem:$0x3F9E] =	sst lr;
	_ =	strace $0xD0000000  }
0x3: {  	_ = 	snop  }
0x4: {  	_ = 	snop  }
0x5: {  	_ = 	snop  }
0x6: {  	_ = 	snop  }
0x7: {  	_ = 	snop  }
__scs_overlays_trampoline_lowered:
0x8: {  	[smem:$0x3FAD] =	sst s0  }
0x9: {  	[smem:$0x3FAE] =	sst s1  }
0xa: {  	[smem:$0x3FAF] =	sst s2  }
0xb: {  	[smem:$0x3FB0] =	sst s3  }
0xc: {  	[smem:$0x3FB1] =	sst s4  }
0xd: {  	[smem:$0x3FB2] =	sst s5  }
0xe: {  	[smem:$0x3FB3] =	sst s6  }
0xf: {  	[smem:$0x3FB4] =	sst s7  }
0x10: {  	[smem:$0x3FB5] =	sst s8  }
0x11: {  	[smem:$0x3FB6] =	sst s9;
	s0 =	simm.s32 @!p0 $0x0  }
0x12: {  	s1 =	sld [smem:$0x3F9C];
	s0 =	simm.s32 @p0 $0x1  }
0x13: {  	[smem:$0x3FB7] =	sst s0;
	s0 =	simm.s32 @!p1 $0x0  }
0x14: {  	s2 =	sld [smem:$0x3F9B];
	s0 =	simm.s32 @p1 $0x1  }
0x15: {  	[smem:$0x3FB8] =	sst s0;
	s0 =	simm.s32 @!p2 $0x0  }
0x16: {  	s3 =	sld [smem:$0x3FDB];
	s0 =	simm.s32 @p2 $0x1  }
0x17: {  	s4 =	simm.s32 $0x1BF5;
	[smem:$0x3FBA] =	sst s0  }
0x18: {  	s0 =	sld [smem:$0x3F9D];
	_ =	swait.ge [sflag:s4], $0x0  }
0x19: {  	s7 =	sld [smem:$0x3F9E]  }
0x1a: {  	s8 =	sadd.s32 $0xFFFFE003, lr  }
0x1b: {  	s9 =	sadd.s32 $0xFFFFFEF7, lr;
	s5 =	simm.s32 $0xFFFFFFFF;
	p2 =	slt.u32 s8, $0xFFFFF086  }
0x1c: {  	p1 =	slt.u32 s9, $0xF7A;
	s5 =	simm.s32 @!p2 $0x0  }
0x1d: {  	s5 =	simm.s32 @p1 $0x1;
	p0 =	seq.s32 s7, s2  }
0x1e: {  	s7 =	smul.u32 @!p0 $0xF7A, s2;
	p2 =	seq.s32 @!p0 s5, $0x0  }
0x1f: {  	s9 =	smul.u32 $0xF7A, s1;
	s8 =	simm.s32 @!p0 $0x1BF5;
	p2 =	por !p2, p0  }
0x20: {  	[sflag:s8] =	ssyncset.s32 @!p0 $0xFFFFF086;
	s6 =	sadd.s32 @!p0 s3, s7;
	s7 =	simm.s32 @!p0 $0x108  }
0x21: {  	s3 =	sadd.s32 s3, s9;
	s6 =	sadd.s32 @!p0 $0x88, s6;
	s7 =	simm.s32 @p2 $0x1082  }
0x22: {  	[simem:s7], [sflag:s8] =	dma.local @!p0 [hbm:s6], $0xF7A  }
0x23: {  	s9 =	sor.u32 $0xD0000000, s2;
	s6 =	simm.s32 $0x108;
	_ =	swait.ge @!p0 [sflag:s8], $0x0  }
0x24: {  	s3 =	sadd.s32 $0x88, s3;
	s6 =	simm.s32 @!p1 $0x1082;
	[sflag:s4] =	ssyncset.s32 $0xFFFFF086  }
0x25: {  	[simem:s6], [sflag:s4] =	dma.local [hbm:s3], $0xF7A  }
0x26: {  	[smem:$0x3F9E] =	sst s1;
	(tag) =	ssettag s2;
	_ =	strace s9  }
0x27: {  	s1 =	sld [smem:$0x3FAE]  }
0x28: {  	s2 =	sld [smem:$0x3FAF]  }
0x29: {  	s4 =	sld [smem:$0x3FB1]  }
0x2a: {  	p0 =	seq.s32 s5, $0x0;
	s5 =	sld [smem:$0x3FB2]  }
0x2b: {  	s6 =	sld [smem:$0x3FB3]  }
0x2c: {  	s7 =	sld [smem:$0x3FB4]  }
0x2d: {  	s3 =	simm.s32 $0x108;
	s8 =	sld [smem:$0x3FB5]  }
0x2e: {  	s3 =	simm.s32 @!p0 $0x1082;
	s9 =	sld [smem:$0x3FB6]  }
0x2f: {  	lr =	sadd.s32 s0, s3;
	s0 =	sld [smem:$0x3FAD]  }
0x30: {  	s3 =	sld [smem:$0x3FB0]  }
0x31: {  	[smem:$0x3FB9] =	sst s10  }
0x32: {  	s10 =	sld [smem:$0x3FB7];
	_ =	sdelay $0x3  }
0x33: {  	p0 =	seq.s32 s10, $0x1;
	s10 =	sld [smem:$0x3FB9];
	_ =	sdelay $0x3  }
0x34: {  	[smem:$0x3FB9] =	sst s10  }
0x35: {  	s10 =	sld [smem:$0x3FB8];
	_ =	sdelay $0x3  }
0x36: {  	p1 =	seq.s32 s10, $0x1;
	s10 =	sld [smem:$0x3FB9];
	_ =	sdelay $0x3  }
0x37: {  	[smem:$0x3FB9] =	sst s10  }
0x38: {  	s10 =	sld [smem:$0x3FBA]  }
0x39: {  	_ = 	snop;
	(pc) =	sbr.ind lr, $3  }
0x3a: {  	_ = 	snop  }
0x3b: {  	_ = 	snop  }
0x3c: {  	p2 =	seq.s32 s10, $0x1;
	s10 =	sld [smem:$0x3FB9]  }
0x3d: {  	_ =	shalt  }
0x3e: {  	_ =	shalt  }
0x3f: {  	_ =	shalt  }
0x40: {  	_ =	shalt  }
0x41: {  	_ =	shalt  }
0x42: {  	_ =	shalt  }
0x43: {  	_ =	shalt  }
0x44: {  	_ =	shalt  }
0x45: {  	_ =	shalt  }
0x46: {  	_ =	shalt  }
0x47: {  	_ =	shalt  }
0x48: {  	_ =	shalt  }
0x49: {  	_ =	shalt  }
0x4a: {  	_ =	shalt  }
0x4b: {  	_ =	shalt  }
0x4c: {  	_ =	shalt  }
0x4d: {  	_ =	shalt  }
0x4e: {  	_ =	shalt  }
0x4f: {  	_ =	shalt  }
0x50: {  	_ =	shalt  }
0x51: {  	_ =	shalt  }
0x52: {  	_ =	shalt  }
0x53: {  	_ =	shalt  }
0x54: {  	_ =	shalt  }
0x55: {  	_ =	shalt  }
0x56: {  	_ =	shalt  }
0x57: {  	_ =	shalt  }
0x58: {  	_ =	shalt  }
0x59: {  	_ =	shalt  }
0x5a: {  	_ =	shalt  }
0x5b: {  	_ =	shalt  }
0x5c: {  	_ =	shalt  }
0x5d: {  	_ =	shalt  }
0x5e: {  	_ =	shalt  }
0x5f: {  	_ =	shalt  }
0x60: {  	_ =	shalt  }
0x61: {  	_ =	shalt  }
0x62: {  	_ =	shalt  }
0x63: {  	_ =	shalt  }
0x64: {  	_ =	shalt  }
0x65: {  	_ =	shalt  }
0x66: {  	_ =	shalt  }
0x67: {  	_ =	shalt  }
0x68: {  	_ =	shalt  }
0x69: {  	_ =	shalt  }
0x6a: {  	_ =	shalt  }
0x6b: {  	_ =	shalt  }
0x6c: {  	_ =	shalt  }
0x6d: {  	_ =	shalt  }
0x6e: {  	_ =	shalt  }
0x6f: {  	_ =	shalt  }
0x70: {  	_ =	shalt  }
0x71: {  	_ =	shalt  }
0x72: {  	_ =	shalt  }
0x73: {  	_ =	shalt  }
0x74: {  	_ =	shalt  }
0x75: {  	_ =	shalt  }
0x76: {  	_ =	shalt  }
0x77: {  	_ =	shalt  }
0x78: {  	_ =	shalt  }
0x79: {  	_ =	shalt  }
0x7a: {  	_ =	shalt  }
0x7b: {  	_ =	shalt  }
0x7c: {  	_ =	shalt  }
0x7d: {  	_ =	shalt  }
0x7e: {  	_ =	shalt  }
0x7f: {  	_ =	shalt  }
0x80: {  	_ =	shalt  }
0x81: {  	_ =	shalt  }
0x82: {  	_ =	shalt  }
0x83: {  	_ =	shalt  }
0x84: {  	_ =	shalt  }
0x85: {  	_ =	shalt  }
0x86: {  	_ =	shalt  }
0x87: {  	_ =	shalt  }
.Lfunc_end0:
.L_simem_size_0:
called_computation.3_lowered:
.L_overlay_start_0:
0x88: {  	s2 =	sld [smem:$0x3FD9]  }
0x89: {  	s3 =	sld [smem:$0x3FFE];
	_ =	sdelay $0x1  }
0x8a: {  	s1 =	srdreg.scid  }
0x8b: {  	s0 =	sand.u32 $0x1, s1  }
0x8c: {  	s16 =	sshll.u32 s0, $0xA;
	s2 =	sadd.s32 s3, s2  }
0x8d: {  	s2 =	sadd.s32 s2, s16  }
0x8e: {  	[smem:$0x3FC5] =	sst s2  }
0x8f: {  	_ = 	snop  }
0x90: {  	(tm) =	ssettm $0x1  }
0x91: {  	s17 =	sld [smem:$0x3FFB];
	_ =	sdelay $0x3  }
0x92: {  	_ =	strace s17  }
0x93: {  	s2 =	sld [smem:$0x3FFC];
	_ =	sdelay $0x3  }
0x94: {  	_ =	strace s2  }
0x95: {  	s2 =	sld [smem:$0x3FFD];
	_ =	sdelay $0x3  }
0x96: {  	_ =	strace s2  }
0x97: {  	_ =	strace $0x8FFFFFFF  }
0x98: {  	s18 =	sld [smem:$0x3FDB];
	_ =	sdelay $0x1  }
0x99: {  	s19 =	simm.s32 $_scs_section_size  }
0x9a: {  	s4 =	simm.s32 $_size__tile_overlayer_lowered;
	s5 =	simm.s32 $_tile_overlayer_lowered  }
0x9b: {  	s22 =	simm.s32 $0x1BFF;
	s21 =	sshll.u32 s5, $0x1;
	s2 =	sadd.s32 s19, s18  }
0x9c: {  	s6 =	simm.s32 $0x0;
	s20 =	sshll.u32 s4, $0x1;
	s4 =	sadd.s32 s21, s2  }
0x9d: {  	[timem:s6], [sflag:s22] =	dma.local [hbm:s4], s20  }
0x9e: {  	_ =	swait.ge [sflag:s22], s20  }
0x9f: {  	s3 =	ssub.s32 $0x0, s20;
	[sflag:s22] =	ssyncset.done $0x0  }
0xa0: {  	[sflag:s22] =	ssyncadd.s32 s3;
	_ =	sdelay $0x1  }
0xa1: {  	s23 =	simm.s32 $0x1B8B  }
0xa2: {  	_ =	swait.ge [sflag:s23], $0x1  }
0xa3: {  	[sflag:s23] =	ssyncset.done $0x0  }
0xa4: {  	s25 =	simm.s32 $0x1B8E;
	s24 =	sld [smem:$0x3FFE];
	[sflag:s23] =	ssyncadd.s32 $0xFFFFFFFF  }
0xa5: {  	s26 =	simm.s32 $execute0_lowered;
	[smem:$0x3FD2] =	sst s25  }
0xa6: {  	s4 =	sshll.u32 s26, $0x1;
	_ =	strace $0x8000004C;
	[dreg:$0x1] =	wrdreg $0xFFFFFFFF  }
0xa7: {  	s28 =	simm.s32 $_size_execute0_lowered;
	s2 =	sadd.s32 s2, s4;
	[dreg:$0x0] =	wrdreg $0x0  }
0xa8: {  	s4 =	sshll.u32 s28, $0x1;
	[dreg:$0x2] =	wrdreg s2  }
0xa9: {  	[dreg:$0x3] =	wrdreg s4  }
0xaa: {  	[dreg:$0x4] =	wrdreg $0xC0  }
0xab: {  	_ =	task [dreg:s6], $0x5FFFF  }
0xac: {  	[dreg:$0x1] =	wrdreg $0xFFFFFFFF  }
0xad: {  	[dreg:$0x0] =	wrdreg $0x60  }
0xae: {  	[dreg:$0x2] =	wrdreg s24  }
0xaf: {  	[dreg:$0x3] =	wrdreg $0x9  }
0xb0: {  	_ =	task.clear_ibuf [dreg:s6], $0x4FFFF;
	_ =	strace $0x9000004C  }
0xb1: {  	s29 =	simm.s32 $0x9;
	_ =	strace $0x8000004E  }
0xb2: {  	_ =	swait.ge [sflag:s29], $0x1  }
0xb3: {  	[sflag:s29] =	ssyncadd.s32 $0xFFFFFFFF  }
0xb4: {  	_ =	strace $0x9000004E  }
0xb5: {  	_ =	sfence  }
0xb6: {  	s30 =	sld [smem:$0x0];
	_ =	sdelay $0x2  }
0xb7: {  	s31 =	sshll.u32 s1, $0xD;
	s1 =	sshrl.u32 s1, $0x2  }
0xb8: {  	s3 =	sand.u32 $0x4000, s31;
	s1 =	sadd.s32 s1, s30  }
0xb9: {  	s0 =	sor.u32 s3, s0;
	s1 =	sshll.u32 s1, $0x11  }
0xba: {  	s0 =	sor.u32 s1, s0  }
0xbb: {  	s0 =	sadd.s32 $0x8F2B, s0  }
0xbc: {  	[sflag:s0] =	ssyncadd.remote.s32 $0x1  }
0xbd: {  	_ =	sfence.sel $0xFFFF  }
0xbe: {  	[dreg:$0x0] =	wrdreg $0xFFFFFFFF;
	(pc) =	sbr.abs _section_cstart, $3  }
0xbf: {  	[dreg:$0x1] =	wrdreg $0xFFFFFFFF  }
0xc0: {  	_ =	task.clear_ibuf [dreg:s6], $0x2FFFF;
	_ =	strace $0x9FFFFFFF  }
0xc1: {  	(tm) =	ssettm $0x7FFFFFFF  }
tec
execute0_lowered:
.L_overlay_start_1:
0x0: {  	(tag) =	ssettag $0x1  }
0x1: {  	s1 =	srdreg.scid  }
0x2: {  	s0 =	stileid.u32;
	s2 =	rddreg [dreg:$0x0];
	s6 =	simm.s32 $0x1  }
0x3: {  	s9 =	simm.s32 $0x1;
	s10 =	simm.s32 $0x3;
	s1 =	sshll.u32 s1, $0x8  }
0x4: {  	s13 =	simm.s32 $0x0;
	s3 =	sshll.u32 s0, $0x9;
	s4 =	sand.u32 $0x100, s1  }
0x5: {  	s12 =	simm.s32 $0x0;
	s5 =	sadd.s32 $0x2DE8000, s2;
	s3 =	sor.u32 s3, s4  }
0x6: {  	s1 =	rddreg [dreg:$0x1];
	_ =	strace $0x8000004D;
	s8 =	ssub.s32 $0x4000, s3  }
.Ltmp0:
0x7: {  	s4 =	sadd.s32 $0x2DC7000, s2;
	s7 =	sand.u32 $0x1F00, s8;
	(pc) =	sbr.rel .LBB2_1-.Ltmp0, $4  }
0x8: {  	[sflag:s6] =	ssyncpa.u1 $0x0;
	s11 =	smov.u32 s3;
	p0 =	sne.s32 s7, $0x0  }
0x9: {  	s8 =	sshrl.u32 s8, $0xD;
	s7 =	simm.s32 $0x2;
	s9 =	simm.s32 @!p0 $0x0  }
0xa: {  	[sflag:s7] =	ssyncpa.u1 $0x0;
	p0 =	por $0x0, $0x0;
	s8 =	sadd.s32 s9, s8  }
0xb: {  	vm0 =	vmmov $0xffff;
	[sflag:s10] =	ssyncpa.u1 $0x0;
	s10 =	simm.s32 $0x0;
	s9 =	sadd.s32 $0x1, s8  }
.LBB2_4:
0xc: {  	v2 =	vnsel vm1, $0x0, v2  }
0xd: {  	vm1 =	vgt.s32 v0, $0x0;
	v2 =	vmin.u32 v2, $0x3FFF  }
0xe: {  	v0 =	vnsel vm1, $0x0, v0  }
0xf: {  	v0 =	vmin.u32 v0, $0x3FFF  }
0x10: {  	[tilespmem:s15], [sflag:$0x1] =	stream.indirect_vreg.gather [hbm4b:s4+s10], $0x1, v1, vm0, $0x4038;
	[tilespmem:$0x400] =	vst v63  }
0x11: {  	(ifvalue) =	ssetifvalue $0x7FFFFFFF  }
0x12: {  	[tilespmem:s16], [sflag:$0x1] =	stream.indirect_vreg.gather [hbm4b:s4+s10], $0x1, v2, vm0, $0x4038;
	[tilespmem:$0x400] =	vst v63  }
0x13: {  	s29 =	sadd.s32 $0x10, s16;
	(ifvalue) =	ssetifvalue $0x7FFFFFFF  }
0x14: {  	[tilespmem:s29], [sflag:$0x1] =	stream.indirect_vreg.gather [hbm4b:s4+s10], $0x1, v0, vm0, $0x4038;
	[tilespmem:$0x400] =	vst v63  }
0x15: {  	_ =	swait.ge [sflag:s6], $0x100  }
0x16: {  	s30 =	sshrl.u32 s13, $0x3;
	[sflag:s6] =	ssyncset.done $0x0  }
0x17: {  	s31 =	sand.u32 $0x7, s13;
	s15 =	sadd.s32 s2, s30;
	[sflag:s6] =	ssyncadd.s32 $0xFFFFFF00  }
0x18: {  	[hbm4b:s15+s31] =	stream.linear.scatter [tilespmem:s14], [sflag:$0x3], $0x100, $0x38;
	[tilespmem:$0x400] =	vst v63  }
.LBB2_5:
0x19: {  	s15 =	sadd.s32 $0x2000, s11  }
0x1a: {  	p2 =	sgt.s32 s15, $0x3FFF  }
0x1b: {  	s15 =	smov.u32 @p2 s3;
	p2 =	sne.s32 s12, s9  }
.Ltmp1:
0x1c: {  	p1 =	slt.u32 s12, $0x2;
	(pc) =	sbr.rel @!p2 .LBB2_6-.Ltmp1, $4  }
0x1d: {  	s14 =	simm.s32 @!p1 $0x3  }
0x1e: {  	s16 =	sadd.s32 $0x1, s12;
	_ =	swait.ge @!p1 [sflag:s14], $0x100  }
0x1f: {  	s13 =	smov.u32 s11;
	p0 =	por !p0, !p0;
	[sflag:s14] =	ssyncset.done @!p1 $0x0  }
0x20: {  	s12 =	smov.u32 s16;
	s11 =	smov.u32 s15;
	[sflag:s14] =	ssyncadd.s32 @!p1 $0xFFFFFF00  }
.LBB2_1:
0x21: {  	p1 =	sge.u32 s12, s8  }
0x22: {  	s14 =	sxor.u32 @!p1 $0xFFFFFFFF, s12  }
0x23: {  	s31 =	sadd.s32 $0xFFFFFFFF, s12;
	s15 =	sshrl.u32 @!p1 s11, $0x3;
	s14 =	sshll.u32 @!p1 s14, $0x8  }
0x24: {  	s16 =	sand.u32 @!p1 $0x7, s11;
	s15 =	sadd.s32 @!p1 s5, s15;
	s14 =	sand.u32 @!p1 $0x100, s14  }
0x25: {  	[tilespmem:s14], [sflag:$0x2] =	stream.linear.gather @!p1 [hbm4b:s15+s16], $0x100, $0x38;
	[tilespmem:$0x400] =	vst v63  }
0x26: {  	p1 =	sge.u32 s31, s8  }
.Ltmp2:
0x27: {  	_ = 	snop;
	(pc) =	sbr.rel @p1 .LBB2_5-.Ltmp2, $1  }
0x28: {  	_ =	sdelay $0x3  }
0x29: {  	s14 =	simm.s32 $0x1  }
0x2a: {  	_ =	swait.ge [sflag:s7], $0x100;
	s14 =	simm.s32 @!p0 $0x0  }
0x2b: {  	[sflag:s7] =	ssyncset.done $0x0;
	s14 =	sshll.u32 s14, $0x8  }
0x2c: {  	[sflag:s7] =	ssyncadd.s32 $0xFFFFFF00;
	(ifvalue) =	ssetifvalue $0x7FFFFFFF;
	v0 =	vld.msk [tilespmem:s14+$0x0 ss:$0x1], $0xffff;
	_ =	sdelay $0x4  }
0x2d: {  	s15 =	sadd.s32 $0x10, s14;
	vm1 =	vgt.s32 v0, $0x0  }
0x2e: {  	v2 =	vld.msk [tilespmem:s15+$0x0 ss:$0x1], $0xffff;
	v1 =	vnsel vm1, $0x0, v0  }
0x2f: {  	v1 =	vmin.u32 v1, $0x3FFF;
	_ =	sdelay $0x1  }
0x30: {  	s16 =	sshll.u32 s12, $0x8;
	s18 =	simm.s32 $0x20  }
0x31: {  	s16 =	sand.u32 $0x100, s16;
	s17 =	sadd.s32 $0x10, s15;
	s15 =	sor.u32 $0x200, s14  }
0x32: {  	s14 =	sor.u32 $0x200, s16;
	s16 =	sadd.s32 $0x10, s15;
	v0 =	vld.msk [tilespmem:s17+$0x0 ss:$0x1], $0xffff;
	vm1 =	vgt.s32 v2, $0x0;
	(ifvalue) =	ssetifvalue $0x7FFFFFFF  }
.LBB2_3:
0x33: {  	[tilespmem:s15], [sflag:$0x1] =	stream.indirect_vreg.gather [hbm4b:s4+s10], $0x1, v1, vm0, $0x4038;
	[tilespmem:$0x400] =	vst v63  }
0x34: {  	s18 =	sadd.s32 $0x10, s18  }
0x35: {  	v2 =	vnsel vm1, $0x0, v2;
	p1 =	slt.u32 s18, $0xF0  }
.Ltmp3:
0x36: {  	s15 =	smov.u32 s16;
	v1 =	vmin.u32 v2, $0x3FFF;
	(pc) =	sbr.rel @p1 .LBB2_3-.Ltmp3, $3  }
0x37: {  	_ =	sdelay $0x1  }
0x38: {  	s17 =	sadd.s32 $0x10, s17  }
0x39: {  	vm1 =	vgt.s32 v0, $0x0;
	s16 =	sadd.s32 $0x10, s16;
	v2 =	vmov v0;
	(ifvalue) =	ssetifvalue $0x7FFFFFFF;
	v0 =	vld.msk [tilespmem:s17+$0x0 ss:$0x1], $0xffff  }
.Ltmp4:
0x3a: {  	_ = 	snop;
	(pc) =	sbr.rel .LBB2_4-.Ltmp4, $1  }
0x3b: {  	_ =	sdelay $0x3  }
.LBB2_6:
0x3c: {  	_ =	sfence.sel $0x180000  }
0x3d: {  	s2 =	simm.s32 $0x2;
	[bflag:$0x0] =	sbarrier.arrive $0xFFFF  }
0x3e: {  	s30 =	simm.s32 $0x3;
	[sflag:s2] =	ssyncpa.u1 $0x1  }
0x3f: {  	s31 =	simm.s32 $0x1;
	[sflag:s30] =	ssyncpa.u1 $0x1  }
0x40: {  	[sflag:s31] =	ssyncpa.u1 $0x1  }
0x41: {  	p0 =	sne.s32 s0, $0x0;
	_ =	strace $0x9000004D  }
0x42: {  	s0 =	sadd.s32 @!p0 $0x100000, s1;
	[bflag:$0x2] =	sbarrier.arrive $0xFFFF  }
0x43: {  	[sflag:s0] =	ssyncadd.tile.s32 @!p0 $0x1;
	_ =	shalt  }
.Lfunc_end2:
_tile_overlayer_lowered:
.L_overlay_start_2:
0x44: {  	(tag) =	ssettag $0x2  }
0x45: {  	s0 =	rddreg [dreg:$0x0];
	s2 =	stileid.u32  }
0x46: {  	s1 =	rddreg [dreg:$0x1];
	p0 =	sne.s32 s2, $0x0  }
0x47: {  	s3 =	rddreg [dreg:$0x2];
	[bflag:$0x3] =	sbarrier.arrive $0xFFFF;
	s2 =	simm.s32 @!p0 $0x1C01  }
0x48: {  	[timem:s3], [sflag:s2] =	dma.local @!p0 [hbm:s0], s1  }
0x49: {  	s0 =	simm.s32 @!p0 $0x1  }
0x4a: {  	_ =	swait.ge @!p0 [sflag:s0], s1  }
0x4b: {  	s1 =	ssub.s32 @!p0 $0x0, s1;
	[sflag:s0] =	ssyncset.done @!p0 $0x0  }
0x4c: {  	[sflag:s0] =	ssyncadd.s32 @!p0 s1  }
0x4d: {  	[bflag:$0x3] =	sbarrier.arrive $0xFFFF  }
0x4e: {  	_ =	shalt  }

// kernel: kernel.3.cloned.1.call-start
scs
__scs_entry_jumppad:
0x0: {  	(pc) =	sbr.rel $0x88, $3  }
0x1: {  	(tag) =	ssettag $0x0;
	lr =	simm.s32 $0x1  }
0x2: {  	[smem:$0x3F9E] =	sst lr;
	_ =	strace $0xD0000000  }
0x3: {  	_ = 	snop  }
0x4: {  	_ = 	snop  }
0x5: {  	_ = 	snop  }
0x6: {  	_ = 	snop  }
0x7: {  	_ = 	snop  }
__scs_overlays_trampoline_lowered:
0x8: {  	[smem:$0x3FAD] =	sst s0  }
0x9: {  	[smem:$0x3FAE] =	sst s1  }
0xa: {  	[smem:$0x3FAF] =	sst s2  }
0xb: {  	[smem:$0x3FB0] =	sst s3  }
0xc: {  	[smem:$0x3FB1] =	sst s4  }
0xd: {  	[smem:$0x3FB2] =	sst s5  }
0xe: {  	[smem:$0x3FB3] =	sst s6  }
0xf: {  	[smem:$0x3FB4] =	sst s7  }
0x10: {  	[smem:$0x3FB5] =	sst s8  }
0x11: {  	[smem:$0x3FB6] =	sst s9;
	s0 =	simm.s32 @!p0 $0x0  }
0x12: {  	s1 =	sld [smem:$0x3F9C];
	s0 =	simm.s32 @p0 $0x1  }
0x13: {  	[smem:$0x3FB7] =	sst s0;
	s0 =	simm.s32 @!p1 $0x0  }
0x14: {  	s2 =	sld [smem:$0x3F9B];
	s0 =	simm.s32 @p1 $0x1  }
0x15: {  	[smem:$0x3FB8] =	sst s0;
	s0 =	simm.s32 @!p2 $0x0  }
0x16: {  	s3 =	sld [smem:$0x3FDB];
	s0 =	simm.s32 @p2 $0x1  }
0x17: {  	s4 =	simm.s32 $0x1BF5;
	[smem:$0x3FBA] =	sst s0  }
0x18: {  	s0 =	sld [smem:$0x3F9D];
	_ =	swait.ge [sflag:s4], $0x0  }
0x19: {  	s7 =	sld [smem:$0x3F9E]  }
0x1a: {  	s8 =	sadd.s32 $0xFFFFE003, lr  }
0x1b: {  	s9 =	sadd.s32 $0xFFFFFEF7, lr;
	s5 =	simm.s32 $0xFFFFFFFF;
	p2 =	slt.u32 s8, $0xFFFFF086  }
0x1c: {  	p1 =	slt.u32 s9, $0xF7A;
	s5 =	simm.s32 @!p2 $0x0  }
0x1d: {  	s5 =	simm.s32 @p1 $0x1;
	p0 =	seq.s32 s7, s2  }
0x1e: {  	s7 =	smul.u32 @!p0 $0xF7A, s2;
	p2 =	seq.s32 @!p0 s5, $0x0  }
0x1f: {  	s9 =	smul.u32 $0xF7A, s1;
	s8 =	simm.s32 @!p0 $0x1BF5;
	p2 =	por !p2, p0  }
0x20: {  	[sflag:s8] =	ssyncset.s32 @!p0 $0xFFFFF086;
	s6 =	sadd.s32 @!p0 s3, s7;
	s7 =	simm.s32 @!p0 $0x108  }
0x21: {  	s3 =	sadd.s32 s3, s9;
	s6 =	sadd.s32 @!p0 $0x88, s6;
	s7 =	simm.s32 @p2 $0x1082  }
0x22: {  	[simem:s7], [sflag:s8] =	dma.local @!p0 [hbm:s6], $0xF7A  }
0x23: {  	s9 =	sor.u32 $0xD0000000, s2;
	s6 =	simm.s32 $0x108;
	_ =	swait.ge @!p0 [sflag:s8], $0x0  }
0x24: {  	s3 =	sadd.s32 $0x88, s3;
	s6 =	simm.s32 @!p1 $0x1082;
	[sflag:s4] =	ssyncset.s32 $0xFFFFF086  }
0x25: {  	[simem:s6], [sflag:s4] =	dma.local [hbm:s3], $0xF7A  }
0x26: {  	[smem:$0x3F9E] =	sst s1;
	(tag) =	ssettag s2;
	_ =	strace s9  }
0x27: {  	s1 =	sld [smem:$0x3FAE]  }
0x28: {  	s2 =	sld [smem:$0x3FAF]  }
0x29: {  	s4 =	sld [smem:$0x3FB1]  }
0x2a: {  	p0 =	seq.s32 s5, $0x0;
	s5 =	sld [smem:$0x3FB2]  }
0x2b: {  	s6 =	sld [smem:$0x3FB3]  }
0x2c: {  	s7 =	sld [smem:$0x3FB4]  }
0x2d: {  	s3 =	simm.s32 $0x108;
	s8 =	sld [smem:$0x3FB5]  }
0x2e: {  	s3 =	simm.s32 @!p0 $0x1082;
	s9 =	sld [smem:$0x3FB6]  }
0x2f: {  	lr =	sadd.s32 s0, s3;
	s0 =	sld [smem:$0x3FAD]  }
0x30: {  	s3 =	sld [smem:$0x3FB0]  }
0x31: {  	[smem:$0x3FB9] =	sst s10  }
0x32: {  	s10 =	sld [smem:$0x3FB7];
	_ =	sdelay $0x3  }
0x33: {  	p0 =	seq.s32 s10, $0x1;
	s10 =	sld [smem:$0x3FB9];
	_ =	sdelay $0x3  }
0x34: {  	[smem:$0x3FB9] =	sst s10  }
0x35: {  	s10 =	sld [smem:$0x3FB8];
	_ =	sdelay $0x3  }
0x36: {  	p1 =	seq.s32 s10, $0x1;
	s10 =	sld [smem:$0x3FB9];
	_ =	sdelay $0x3  }
0x37: {  	[smem:$0x3FB9] =	sst s10  }
0x38: {  	s10 =	sld [smem:$0x3FBA]  }
0x39: {  	_ = 	snop;
	(pc) =	sbr.ind lr, $3  }
0x3a: {  	_ = 	snop  }
0x3b: {  	_ = 	snop  }
0x3c: {  	p2 =	seq.s32 s10, $0x1;
	s10 =	sld [smem:$0x3FB9]  }
0x3d: {  	_ =	shalt  }
0x3e: {  	_ =	shalt  }
0x3f: {  	_ =	shalt  }
0x40: {  	_ =	shalt  }
0x41: {  	_ =	shalt  }
0x42: {  	_ =	shalt  }
0x43: {  	_ =	shalt  }
0x44: {  	_ =	shalt  }
0x45: {  	_ =	shalt  }
0x46: {  	_ =	shalt  }
0x47: {  	_ =	shalt  }
0x48: {  	_ =	shalt  }
0x49: {  	_ =	shalt  }
0x4a: {  	_ =	shalt  }
0x4b: {  	_ =	shalt  }
0x4c: {  	_ =	shalt  }
0x4d: {  	_ =	shalt  }
0x4e: {  	_ =	shalt  }
0x4f: {  	_ =	shalt  }
0x50: {  	_ =	shalt  }
0x51: {  	_ =	shalt  }
0x52: {  	_ =	shalt  }
0x53: {  	_ =	shalt  }
0x54: {  	_ =	shalt  }
0x55: {  	_ =	shalt  }
0x56: {  	_ =	shalt  }
0x57: {  	_ =	shalt  }
0x58: {  	_ =	shalt  }
0x59: {  	_ =	shalt  }
0x5a: {  	_ =	shalt  }
0x5b: {  	_ =	shalt  }
0x5c: {  	_ =	shalt  }
0x5d: {  	_ =	shalt  }
0x5e: {  	_ =	shalt  }
0x5f: {  	_ =	shalt  }
0x60: {  	_ =	shalt  }
0x61: {  	_ =	shalt  }
0x62: {  	_ =	shalt  }
0x63: {  	_ =	shalt  }
0x64: {  	_ =	shalt  }
0x65: {  	_ =	shalt  }
0x66: {  	_ =	shalt  }
0x67: {  	_ =	shalt  }
0x68: {  	_ =	shalt  }
0x69: {  	_ =	shalt  }
0x6a: {  	_ =	shalt  }
0x6b: {  	_ =	shalt  }
0x6c: {  	_ =	shalt  }
0x6d: {  	_ =	shalt  }
0x6e: {  	_ =	shalt  }
0x6f: {  	_ =	shalt  }
0x70: {  	_ =	shalt  }
0x71: {  	_ =	shalt  }
0x72: {  	_ =	shalt  }
0x73: {  	_ =	shalt  }
0x74: {  	_ =	shalt  }
0x75: {  	_ =	shalt  }
0x76: {  	_ =	shalt  }
0x77: {  	_ =	shalt  }
0x78: {  	_ =	shalt  }
0x79: {  	_ =	shalt  }
0x7a: {  	_ =	shalt  }
0x7b: {  	_ =	shalt  }
0x7c: {  	_ =	shalt  }
0x7d: {  	_ =	shalt  }
0x7e: {  	_ =	shalt  }
0x7f: {  	_ =	shalt  }
0x80: {  	_ =	shalt  }
0x81: {  	_ =	shalt  }
0x82: {  	_ =	shalt  }
0x83: {  	_ =	shalt  }
0x84: {  	_ =	shalt  }
0x85: {  	_ =	shalt  }
0x86: {  	_ =	shalt  }
0x87: {  	_ =	shalt  }
.Lfunc_end0:
.L_simem_size_0:
called_computation.4_lowered:
.L_overlay_start_0:
0x88: {  	s2 =	sld [smem:$0x3FD9]  }
0x89: {  	s3 =	sld [smem:$0x3FFE];
	_ =	sdelay $0x1  }
0x8a: {  	s1 =	srdreg.scid  }
0x8b: {  	s0 =	sand.u32 $0x1, s1  }
0x8c: {  	s17 =	sshll.u32 s0, $0xA;
	s2 =	sadd.s32 s3, s2  }
0x8d: {  	s2 =	sadd.s32 s2, s17  }
0x8e: {  	[smem:$0x3FC5] =	sst s2  }
0x8f: {  	_ = 	snop  }
0x90: {  	s2 =	sld [smem:$0x3FD0];
	(tm) =	ssettm $0x1  }
0x91: {  	s18 =	sld [smem:$0x3FFB];
	_ =	sdelay $0x3  }
0x92: {  	_ =	strace s18  }
0x93: {  	s3 =	sld [smem:$0x3FFC];
	_ =	sdelay $0x3  }
0x94: {  	_ =	strace s3  }
0x95: {  	s3 =	sld [smem:$0x3FFD];
	_ =	sdelay $0x3  }
0x96: {  	_ =	strace s3  }
0x97: {  	_ =	strace $0x8FFFFFFF  }
0x98: {  	s19 =	sld [smem:$0x3FDB];
	_ =	sdelay $0x1  }
0x99: {  	s4 =	simm.s32 $_scs_section_size  }
0x9a: {  	s5 =	simm.s32 $_size__tile_overlayer_lowered;
	s6 =	simm.s32 $_tile_overlayer_lowered  }
0x9b: {  	s22 =	simm.s32 $0x1BFF;
	s21 =	sshll.u32 s6, $0x1;
	s3 =	sadd.s32 s4, s19  }
0x9c: {  	s7 =	simm.s32 $0x0;
	s20 =	sshll.u32 s5, $0x1;
	s5 =	sadd.s32 s21, s3  }
0x9d: {  	[timem:s7], [sflag:s22] =	dma.local [hbm:s5], s20  }
0x9e: {  	_ =	swait.ge [sflag:s22], s20  }
0x9f: {  	s4 =	ssub.s32 $0x0, s20;
	[sflag:s22] =	ssyncset.done $0x0  }
0xa0: {  	[sflag:s22] =	ssyncadd.s32 s4;
	_ =	sdelay $0x1  }
0xa1: {  	s23 =	simm.s32 $0x1B8B  }
0xa2: {  	_ =	swait.ge [sflag:s23], $0x1  }
0xa3: {  	[sflag:s23] =	ssyncset.done $0x0  }
0xa4: {  	s25 =	simm.s32 $0x1B8E;
	s24 =	sld [smem:$0x3FFE];
	[sflag:s23] =	ssyncadd.s32 $0xFFFFFFFF  }
0xa5: {  	s26 =	simm.s32 $execute0_lowered;
	[smem:$0x3FD2] =	sst s25  }
0xa6: {  	s5 =	sshll.u32 s26, $0x1;
	_ =	strace $0x8000004F;
	[dreg:$0x1] =	wrdreg $0xFFFFFFFF  }
0xa7: {  	s28 =	simm.s32 $_size_execute0_lowered;
	s3 =	sadd.s32 s3, s5;
	[dreg:$0x0] =	wrdreg $0x0  }
0xa8: {  	s5 =	sshll.u32 s28, $0x1;
	[dreg:$0x2] =	wrdreg s3  }
0xa9: {  	[dreg:$0x3] =	wrdreg s5  }
0xaa: {  	[dreg:$0x4] =	wrdreg $0xC0  }
0xab: {  	_ =	task [dreg:s7], $0x5FFFF  }
0xac: {  	[dreg:$0x1] =	wrdreg $0xFFFFFFFF  }
0xad: {  	[dreg:$0x0] =	wrdreg $0x60  }
0xae: {  	[dreg:$0x2] =	wrdreg s24  }
0xaf: {  	[dreg:$0x3] =	wrdreg s2  }
0xb0: {  	[dreg:$0x4] =	wrdreg $0x9  }
0xb1: {  	_ =	task.clear_ibuf [dreg:s7], $0x5FFFF;
	_ =	strace $0x9000004F  }
0xb2: {  	s29 =	simm.s32 $0x9;
	_ =	strace $0x80000051  }
0xb3: {  	_ =	swait.ge [sflag:s29], $0x1  }
0xb4: {  	[sflag:s29] =	ssyncadd.s32 $0xFFFFFFFF  }
0xb5: {  	_ =	strace $0x90000051  }
0xb6: {  	_ =	sfence  }
0xb7: {  	s30 =	sld [smem:$0x0];
	_ =	sdelay $0x2  }
0xb8: {  	s31 =	sshll.u32 s1, $0xD;
	s1 =	sshrl.u32 s1, $0x2  }
0xb9: {  	s3 =	sand.u32 $0x4000, s31;
	s1 =	sadd.s32 s1, s30  }
0xba: {  	s0 =	sor.u32 s3, s0;
	s1 =	sshll.u32 s1, $0x11  }
0xbb: {  	s0 =	sor.u32 s1, s0  }
0xbc: {  	s0 =	sadd.s32 $0x8F2B, s0  }
0xbd: {  	[sflag:s0] =	ssyncadd.remote.s32 $0x1  }
0xbe: {  	_ =	sfence.sel $0xFFFF  }
0xbf: {  	[dreg:$0x0] =	wrdreg $0xFFFFFFFF;
	(pc) =	sbr.abs _section_cstart, $3  }
0xc0: {  	[dreg:$0x1] =	wrdreg $0xFFFFFFFF  }
0xc1: {  	_ =	task.clear_ibuf [dreg:s7], $0x2FFFF;
	_ =	strace $0x9FFFFFFF  }
0xc2: {  	(tm) =	ssettm $0x7FFFFFFF  }
0xc3: {  	_ =	shalt  }
tec
execute0_lowered:
.L_overlay_start_1:
0x0: {  	(tag) =	ssettag $0x1  }
0x1: {  	s1 =	srdreg.scid  }
0x2: {  	s0 =	stileid.u32;
	s21 =	sand.u32 $0x1, s1  }
0x3: {  	s8 =	rddreg [dreg:$0x0];
	s4 =	sshll.u32 s0, $0x7;
	s5 =	sshll.u32 s21, $0x6  }
0x4: {  	s2 =	rddreg [dreg:$0x1];
	s3 =	simm.s32 $0x0;
	s4 =	sor.u32 s5, s4  }
0x5: {  	s6 =	simm.s32 $0x3;
	[smem:$0x7FF] =	sst s3;
	s4 =	sadd.s32 s8, s4  }
0x6: {  	s1 =	rddreg [dreg:$0x2];
	_ =	strace $0x80000050;
	s5 =	sadd.s32 $0x2DC7800, s4  }
0x7: {  	[tilespmem:s3], [sflag:$0x3] =	stream.linear.gather [hbm4b:s5+s3], $0x200, $0x38;
	[tilespmem:$0x8400] =	vst v63  }
0x8: {  	_ =	swait.ge [sflag:s6], $0x200  }
0x9: {  	[sflag:s6] =	ssyncset.done $0x0  }
0xa: {  	s7 =	simm.s32 $0x200;
	[sflag:s6] =	ssyncadd.s32 $0xFFFFFE00  }
0xb: {  	[tilespmem:s7], [sflag:$0x3] =	stream.linear.gather [hbm4b:s4+s3], $0x200, $0x38;
	[tilespmem:$0x8400] =	vst v63  }
0xc: {  	_ =	swait.ge [sflag:s6], $0x200  }
0xd: {  	s9 =	simm.s32 $0x80;
	[sflag:s6] =	ssyncset.done $0x0  }
0xe: {  	s10 =	simm.s32 $0x400;
	s8 =	sadd.s32 $0x2DC8000, s8;
	[sflag:s6] =	ssyncadd.s32 $0xFFFFFE00  }
0xf: {  	[tilespmem:s10], [sflag:$0x1] =	stream.indirect.gather [hbm4b:s8+s9], $0x40, s7, s9, $0xb8;
	[tilespmem:$0x8400] =	vst v63  }
0x10: {  	s11 =	simm.s32 $0x280;
	s12 =	simm.s32 $0x2400  }
0x11: {  	[tilespmem:s12], [sflag:$0x1] =	stream.indirect.gather [hbm4b:s8+s9], $0x40, s11, s9, $0xb8;
	[tilespmem:$0x8400] =	vst v63  }
0x12: {  	s13 =	simm.s32 $0x300;
	s14 =	simm.s32 $0x4400  }
0x13: {  	[tilespmem:s14], [sflag:$0x1] =	stream.indirect.gather [hbm4b:s8+s9], $0x40, s13, s9, $0xb8;
	[tilespmem:$0x8400] =	vst v63  }
0x14: {  	s15 =	simm.s32 $0x380;
	s16 =	simm.s32 $0x6400;
	s17 =	simm.s32 $0x1  }
0x15: {  	[tilespmem:s16], [sflag:$0x1] =	stream.indirect.gather [hbm4b:s8+s9], $0x40, s15, s9, $0xb8;
	[tilespmem:$0x8400] =	vst v63  }
0x16: {  	_ =	swait.ge [sflag:s17], $0x2000  }
0x17: {  	[sflag:s17] =	ssyncset.done $0x0  }
0x18: {  	[sflag:s17] =	ssyncadd.s32 $0xFFFFE000  }
0x19: {  	_ =	swait.ge [sflag:s17], $0x2000  }
0x1a: {  	[sflag:s17] =	ssyncset.done $0x0  }
0x1b: {  	[sflag:s17] =	ssyncadd.s32 $0xFFFFE000  }
0x1c: {  	_ =	swait.ge [sflag:s17], $0x2000  }
0x1d: {  	[sflag:s17] =	ssyncset.done $0x0  }
0x1e: {  	[sflag:s17] =	ssyncadd.s32 $0xFFFFE000  }
0x1f: {  	_ =	swait.ge [sflag:s17], $0x2000  }
0x20: {  	[sflag:s17] =	ssyncset.done $0x0  }
0x21: {  	[sflag:s17] =	ssyncadd.s32 $0xFFFFE000  }
0x22: {  	[hbm4b:s2+s9] =	stream.indirect.scatter [tilespmem:s10], [sflag:$0x2], $0x40, s3, s9, $0xb8;
	[tilespmem:$0x8400] =	vst v63  }
0x23: {  	_ = 	snop  }
0x24: {  	[hbm4b:s2+s9] =	stream.indirect.scatter [tilespmem:s12], [sflag:$0x2], $0x40, s9, s9, $0xb8;
	[tilespmem:$0x8400] =	vst v63  }
0x25: {  	s18 =	simm.s32 $0x100  }
0x26: {  	[hbm4b:s2+s9] =	stream.indirect.scatter [tilespmem:s14], [sflag:$0x2], $0x40, s18, s9, $0xb8;
	[tilespmem:$0x8400] =	vst v63  }
0x27: {  	s20 =	simm.s32 $0x180;
	s19 =	simm.s32 $0x2  }
0x28: {  	[hbm4b:s2+s9] =	stream.indirect.scatter [tilespmem:s16], [sflag:$0x2], $0x40, s20, s9, $0xb8;
	[tilespmem:$0x8400] =	vst v63  }
0x29: {  	_ =	swait.ge [sflag:s19], $0x2000  }
0x2a: {  	s21 =	ssub.s32 $0x2, s21;
	[sflag:s19] =	ssyncset.done $0x0  }
0x2b: {  	s22 =	sshrl.u32 s21, $0x1;
	[sflag:s19] =	ssyncadd.s32 $0xFFFFE000  }
0x2c: {  	s21 =	ssub.s32 s21, s22;
	_ =	swait.ge [sflag:s19], $0x2000  }
0x2d: {  	s21 =	smax.u32 s21, $0x1;
	[sflag:s19] =	ssyncset.done $0x0  }
0x2e: {  	p0 =	sne.s32 s21, $0x1;
	[sflag:s19] =	ssyncadd.s32 $0xFFFFE000  }
.Ltmp0:
0x2f: {  	_ =	swait.ge [sflag:s19], $0x2000;
	(pc) =	sbr.rel @!p0 .LBB2_2-.Ltmp0, $4  }
0x30: {  	[sflag:s19] =	ssyncset.done $0x0  }
0x31: {  	[sflag:s19] =	ssyncadd.s32 $0xFFFFE000  }
0x32: {  	_ =	swait.ge [sflag:s19], $0x2000  }
0x33: {  	s21 =	sadd.s32 $0xFFFFFFFF, s21;
	[sflag:s19] =	ssyncset.done $0x0  }
.LBB2_1:
0x34: {  	p0 =	sne.s32 s21, $0x1;
	s21 =	sadd.s32 $0xFFFFFFFF, s21;
	[sflag:s19] =	ssyncadd.s32 $0xFFFFE000  }
0x35: {  	[tilespmem:s3], [sflag:$0x3] =	stream.linear.gather [hbm4b:s5+s3], $0x200, $0x38;
	[tilespmem:$0x8400] =	vst v63  }
0x36: {  	_ =	swait.ge [sflag:s6], $0x200  }
0x37: {  	[sflag:s6] =	ssyncset.done $0x0  }
0x38: {  	[sflag:s6] =	ssyncadd.s32 $0xFFFFFE00  }
0x39: {  	[tilespmem:s7], [sflag:$0x3] =	stream.linear.gather [hbm4b:s4+s3], $0x200, $0x38;
	[tilespmem:$0x8400] =	vst v63  }
0x3a: {  	_ =	swait.ge [sflag:s6], $0x200  }
0x3b: {  	[sflag:s6] =	ssyncset.done $0x0  }
0x3c: {  	[sflag:s6] =	ssyncadd.s32 $0xFFFFFE00  }
0x3d: {  	[tilespmem:s10], [sflag:$0x1] =	stream.indirect.gather [hbm4b:s8+s9], $0x40, s7, s9, $0xb8;
	[tilespmem:$0x8400] =	vst v63  }
0x3e: {  	_ = 	snop  }
0x3f: {  	[tilespmem:s12], [sflag:$0x1] =	stream.indirect.gather [hbm4b:s8+s9], $0x40, s11, s9, $0xb8;
	[tilespmem:$0x8400] =	vst v63  }
0x40: {  	_ = 	snop  }
0x41: {  	[tilespmem:s14], [sflag:$0x1] =	stream.indirect.gather [hbm4b:s8+s9], $0x40, s13, s9, $0xb8;
	[tilespmem:$0x8400] =	vst v63  }
0x42: {  	_ = 	snop  }
0x43: {  	[tilespmem:s16], [sflag:$0x1] =	stream.indirect.gather [hbm4b:s8+s9], $0x40, s15, s9, $0xb8;
	[tilespmem:$0x8400] =	vst v63  }
0x44: {  	_ =	swait.ge [sflag:s17], $0x2000  }
0x45: {  	[sflag:s17] =	ssyncset.done $0x0  }
0x46: {  	[sflag:s17] =	ssyncadd.s32 $0xFFFFE000  }
0x47: {  	_ =	swait.ge [sflag:s17], $0x2000  }
0x48: {  	[sflag:s17] =	ssyncset.done $0x0  }
0x49: {  	[sflag:s17] =	ssyncadd.s32 $0xFFFFE000  }
0x4a: {  	_ =	swait.ge [sflag:s17], $0x2000  }
0x4b: {  	[sflag:s17] =	ssyncset.done $0x0  }
0x4c: {  	[sflag:s17] =	ssyncadd.s32 $0xFFFFE000  }
0x4d: {  	_ =	swait.ge [sflag:s17], $0x2000  }
0x4e: {  	[sflag:s17] =	ssyncset.done $0x0  }
0x4f: {  	[sflag:s17] =	ssyncadd.s32 $0xFFFFE000  }
0x50: {  	[hbm4b:s2+s9] =	stream.indirect.scatter [tilespmem:s10], [sflag:$0x2], $0x40, s3, s9, $0xb8;
	[tilespmem:$0x8400] =	vst v63  }
0x51: {  	_ = 	snop  }
0x52: {  	[hbm4b:s2+s9] =	stream.indirect.scatter [tilespmem:s12], [sflag:$0x2], $0x40, s9, s9, $0xb8;
	[tilespmem:$0x8400] =	vst v63  }
0x53: {  	_ = 	snop  }
0x54: {  	[hbm4b:s2+s9] =	stream.indirect.scatter [tilespmem:s14], [sflag:$0x2], $0x40, s18, s9, $0xb8;
	[tilespmem:$0x8400] =	vst v63  }
0x55: {  	_ = 	snop  }
0x56: {  	[hbm4b:s2+s9] =	stream.indirect.scatter [tilespmem:s16], [sflag:$0x2], $0x40, s20, s9, $0xb8;
	[tilespmem:$0x8400] =	vst v63  }
0x57: {  	_ =	swait.ge [sflag:s19], $0x2000  }
0x58: {  	[sflag:s19] =	ssyncset.done $0x0  }
0x59: {  	[sflag:s19] =	ssyncadd.s32 $0xFFFFE000  }
0x5a: {  	_ =	swait.ge [sflag:s19], $0x2000  }
0x5b: {  	[sflag:s19] =	ssyncset.done $0x0  }
0x5c: {  	[sflag:s19] =	ssyncadd.s32 $0xFFFFE000  }
.Ltmp1:
0x5d: {  	_ =	swait.ge [sflag:s19], $0x2000;
	(pc) =	sbr.rel @p0 .LBB2_1-.Ltmp1, $4  }
0x5e: {  	[sflag:s19] =	ssyncset.done $0x0  }
0x5f: {  	[sflag:s19] =	ssyncadd.s32 $0xFFFFE000  }
0x60: {  	_ =	swait.ge [sflag:s19], $0x2000  }
0x61: {  	[sflag:s19] =	ssyncset.done $0x0  }
.LBB2_2:
0x62: {  	[sflag:s19] =	ssyncadd.s32 $0xFFFFE000  }
0x63: {  	_ =	sfence.sel $0x180000  }
0x64: {  	[bflag:$0x0] =	sbarrier.arrive $0xFFFF  }
0x65: {  	p0 =	sne.s32 s0, $0x0;
	_ =	strace $0x90000050  }
0x66: {  	s0 =	sadd.s32 @!p0 $0x100000, s1;
	[bflag:$0x2] =	sbarrier.arrive $0xFFFF  }
0x67: {  	[sflag:s0] =	ssyncadd.tile.s32 @!p0 $0x1;
	_ =	shalt  }
.Lfunc_end2:
_tile_overlayer_lowered:
.L_overlay_start_2:
0x68: {  	(tag) =	ssettag $0x2  }
0x69: {  	s0 =	rddreg [dreg:$0x0];
	s2 =	stileid.u32  }
0x6a: {  	s1 =	rddreg [dreg:$0x1];
	p0 =	sne.s32 s2, $0x0  }
0x6b: {  	s3 =	rddreg [dreg:$0x2];
	[bflag:$0x3] =	sbarrier.arrive $0xFFFF;
	s2 =	simm.s32 @!p0 $0x1C03  }
0x6c: {  	[timem:s3], [sflag:s2] =	dma.local @!p0 [hbm:s0], s1  }
0x6d: {  	s0 =	simm.s32 @!p0 $0x3  }
0x6e: {  	_ =	swait.ge @!p0 [sflag:s0], s1  }
0x6f: {  	s1 =	ssub.s32 @!p0 $0x0, s1;
	[sflag:s0] =	ssyncset.done @!p0 $0x0  }
0x70: {  	[sflag:s0] =	ssyncadd.s32 @!p0 s1  }
0x71: {  	[bflag:$0x3] =	sbarrier.arrive $0xFFFF  }
0x72: {  	_ =	shalt  }

// kernel: sparse-core-data-format-call.1.cloned.1.call-start
scs
called_computation.1_lowered:
.L_overlay_start_0:
0x0: {  	s1 =	sld [smem:$0x3FD9]  }
0x1: {  	s2 =	sld [smem:$0x3FFE];
	_ =	sdelay $0x1  }
0x2: {  	s3 =	srdreg.scid  }
0x3: {  	s0 =	sand.u32 $0x1, s3  }
0x4: {  	s17 =	sshll.u32 s0, $0xA;
	s1 =	sadd.s32 s2, s1  }
0x5: {  	s1 =	sadd.s32 s1, s17  }
0x6: {  	[smem:$0x3FC5] =	sst s1  }
0x7: {  	_ = 	snop  }
0x8: {  	(tm) =	ssettm $0x1  }
0x9: {  	s18 =	sld [smem:$0x3FFB];
	_ =	sdelay $0x3  }
0xa: {  	_ =	strace s18  }
0xb: {  	s1 =	sld [smem:$0x3FFC];
	_ =	sdelay $0x3  }
0xc: {  	_ =	strace s1  }
0xd: {  	s1 =	sld [smem:$0x3FFD];
	_ =	sdelay $0x3  }
0xe: {  	_ =	strace s1  }
0xf: {  	_ =	strace $0x8FFFFFFF  }
0x10: {  	s19 =	sld [smem:$0x3FDB];
	_ =	sdelay $0x1  }
0x11: {  	s20 =	simm.s32 $_scs_section_size  }
0x12: {  	s4 =	simm.s32 $_size__tile_overlayer_lowered;
	s5 =	simm.s32 $_tile_overlayer_lowered  }
0x13: {  	s23 =	simm.s32 $0x1BFF;
	s22 =	sshll.u32 s5, $0x1;
	s1 =	sadd.s32 s20, s19  }
0x14: {  	s6 =	simm.s32 $0x0;
	s21 =	sshll.u32 s4, $0x1;
	s4 =	sadd.s32 s22, s1  }
0x15: {  	[timem:s6], [sflag:s23] =	dma.local [hbm:s4], s21  }
0x16: {  	_ =	swait.ge [sflag:s23], s21  }
0x17: {  	s2 =	ssub.s32 $0x0, s21;
	[sflag:s23] =	ssyncset.done $0x0  }
0x18: {  	[sflag:s23] =	ssyncadd.s32 s2;
	_ =	sdelay $0x1  }
0x19: {  	s24 =	simm.s32 $0x1B8B  }
0x1a: {  	_ =	swait.ge [sflag:s24], $0x1  }
0x1b: {  	[sflag:s24] =	ssyncset.done $0x0  }
0x1c: {  	s26 =	simm.s32 $0x1B8E;
	s25 =	sld [smem:$0x3FFE];
	[sflag:s24] =	ssyncadd.s32 $0xFFFFFFFF  }
0x1d: {  	s27 =	simm.s32 $execute0_lowered;
	[smem:$0x3FD2] =	sst s26  }
0x1e: {  	s4 =	sshll.u32 s27, $0x1;
	_ =	strace $0x80000046;
	[dreg:$0x1] =	wrdreg $0xFFFFFFFF  }
0x1f: {  	s28 =	simm.s32 $_size_execute0_lowered;
	s1 =	sadd.s32 s1, s4;
	[dreg:$0x0] =	wrdreg $0x0  }
0x20: {  	s4 =	sshll.u32 s28, $0x1;
	[dreg:$0x2] =	wrdreg s1  }
0x21: {  	[dreg:$0x3] =	wrdreg s4  }
0x22: {  	[dreg:$0x4] =	wrdreg $0xC0  }
0x23: {  	_ =	task [dreg:s6], $0x5FFFF  }
0x24: {  	[dreg:$0x1] =	wrdreg $0xFFFFFFFF  }
0x25: {  	[dreg:$0x0] =	wrdreg $0x60  }
0x26: {  	[dreg:$0x2] =	wrdreg s25  }
0x27: {  	[dreg:$0x3] =	wrdreg $0x9  }
0x28: {  	_ =	task.clear_ibuf [dreg:s6], $0x4FFFF;
	_ =	strace $0x90000046  }
0x29: {  	s29 =	simm.s32 $0x9;
	_ =	strace $0x80000048  }
0x2a: {  	_ =	swait.ge [sflag:s29], $0x1  }
0x2b: {  	[sflag:s29] =	ssyncadd.s32 $0xFFFFFFFF  }
0x2c: {  	_ =	strace $0x90000048  }
0x2d: {  	_ =	sfence  }
0x2e: {  	s30 =	sld [smem:$0x0];
	_ =	sdelay $0x2  }
0x2f: {  	s31 =	sshll.u32 s3, $0xD;
	s3 =	sshrl.u32 s3, $0x2  }
0x30: {  	s2 =	sand.u32 $0x4000, s31;
	s1 =	sadd.s32 s3, s30  }
0x31: {  	s0 =	sor.u32 s2, s0;
	s1 =	sshll.u32 s1, $0x11  }
0x32: {  	s0 =	sor.u32 s1, s0  }
0x33: {  	s0 =	sadd.s32 $0x8F2B, s0  }
0x34: {  	[sflag:s0] =	ssyncadd.remote.s32 $0x1  }
0x35: {  	_ =	sfence.sel $0xFFFF  }
0x36: {  	[dreg:$0x0] =	wrdreg $0xFFFFFFFF;
	(pc) =	sbr.abs _section_cstart, $3  }
0x37: {  	[dreg:$0x1] =	wrdreg $0xFFFFFFFF  }
0x38: {  	_ =	task.clear_ibuf [dreg:s6], $0x2FFFF;
	_ =	strace $0x9FFFFFFF  }
0x39: {  	(tm) =	ssettm $0x7FFFFFFF  }
tec
execute0_lowered:
.L_overlay_start_1:
0x0: {  	(tag) =	ssettag $0x1  }
0x1: {  	s0 =	srdreg.scid  }
0x2: {  	s2 =	rddreg [dreg:$0x0];
	s1 =	stileid.u32  }
0x3: {  	s4 =	simm.s32 $0x1;
	s6 =	simm.s32 $0x2;
	s15 =	simm.s32 $0x0  }
0x4: {  	p0 =	por $0x0, $0x0;
	s8 =	simm.s32 $0x80;
	s0 =	sshll.u32 s0, $0x4  }
0x5: {  	s14 =	simm.s32 $0x0;
	s9 =	simm.s32 $0x0;
	s3 =	sand.u32 $0x10, s0  }
.Ltmp0:
0x6: {  	s10 =	simm.s32 $0x0;
	s3 =	sor.u32 s1, s3;
	(pc) =	sbr.rel .LBB1_1-.Ltmp0, $4  }
0x7: {  	s0 =	rddreg [dreg:$0x1];
	_ =	strace $0x80000047;
	s3 =	sshll.u32 s3, $0x7  }
0x8: {  	s12 =	simm.s32 $0x0;
	[sflag:s4] =	ssyncpa.u1 $0x0;
	s7 =	ssub.s32 $0xF4200, s3  }
0x9: {  	s13 =	simm.s32 $0x0;
	[sflag:s6] =	ssyncpa.u1 $0x0;
	s6 =	sshrl.u32 s7, $0xC  }
0xa: {  	s5 =	sadd.s32 $0x7A1400, s2;
	s11 =	smov.u32 s3;
	s7 =	sadd.s32 $0x2, s6  }
.LBB1_5:
0xb: {  	p1 =	slt.u32 s13, $0x2  }
0xc: {  	s17 =	smov.u32 s15;
	p2 =	sgt.s32 @!p1 s15, $0xF41C0;
	s16 =	sshra.s32 @!p1 s15, $0x1F  }
0xd: {  	p3 =	sgt.s32 @!p1 s14, $0x40;
	s18 =	sshra.s32 @!p1 s14, $0x1F;
	p2 =	por !p2, p1  }
0xe: {  	s15 =	sand.u32 @!p1 s16, s15;
	p3 =	por !p3, p1;
	s16 =	smov.u32 s14  }
0xf: {  	s14 =	sand.u32 @!p1 s18, s14;
	s17 =	simm.s32 @p2 $0xF41C0;
	s16 =	simm.s32 @p3 $0x40  }
0x10: {  	s15 =	ssub.s32 @!p1 s17, s15;
	s14 =	ssub.s32 @!p1 s16, s14  }
0x11: {  	s18 =	smov.u32 s12;
	s16 =	sadd.s32 @!p1 $0xFFF0BE40, s15;
	s17 =	sadd.s32 @!p1 $0xFFFFFFC0, s14  }
0x12: {  	s15 =	ssub.s32 @!p1 $0xF4240, s15;
	p2 =	sgt.s32 @!p1 s16, $0x7F;
	p3 =	sgt.s32 @!p1 s17, $0x3F  }
0x13: {  	s14 =	ssub.s32 @!p1 $0x80, s14;
	p2 =	por !p2, p1;
	p3 =	por !p3, p1  }
0x14: {  	s16 =	sadd.s32 $0x1000, s11;
	s15 =	simm.s32 @!p2 $0x0;
	s14 =	simm.s32 @!p3 $0x0  }
0x15: {  	p2 =	sgt.s32 s16, $0xF423F;
	s14 =	smul.u32 @!p1 s14, s15;
	s15 =	sadd.s32 $0x40, s12  }
0x16: {  	s18 =	smov.u32 @p2 s15  }
0x17: {  	s16 =	smov.u32 @p2 s3;
	p2 =	sgt.s32 s18, $0x3F  }
0x18: {  	s18 =	simm.s32 @p2 $0x0;
	p2 =	sne.s32 s13, s7  }
.Ltmp1:
0x19: {  	p0 =	por !p0, !p0;
	s17 =	simm.s32 @!p1 $0x2;
	(pc) =	sbr.rel @!p2 .LBB1_6-.Ltmp1, $4  }
0x1a: {  	s15 =	smov.u32 s9;
	s9 =	smov.u32 s11;
	s14 =	sand.u32 @!p1 $0x3FFFFFFF, s14  }
0x1b: {  	s11 =	smov.u32 s16;
	_ =	swait.ge @!p1 [sflag:s17], s14;
	s19 =	ssub.s32 @!p1 $0x0, s14  }
0x1c: {  	s14 =	smov.u32 s10;
	s13 =	sadd.s32 $0x1, s13;
	[sflag:s17] =	ssyncset.done @!p1 $0x0  }
0x1d: {  	s10 =	smov.u32 s12;
	s12 =	smov.u32 s18;
	[sflag:s17] =	ssyncadd.s32 @!p1 s19  }
.LBB1_1:
0x1e: {  	p1 =	sgt.u32 s13, s6  }
0x1f: {  	s16 =	sshrl.u32 @!p1 s12, $0x3  }
0x20: {  	s17 =	sshll.u32 @!p1 s11, $0x3;
	s16 =	smul.u32 @!p1 $0x7A1400, s16  }
0x21: {  	s18 =	sshll.u32 @!p1 s12, $0x7;
	s17 =	sand.u32 @!p1 $0xFFFFFC00, s17  }
0x22: {  	s16 =	sadd.s32 @!p1 s16, s17;
	s17 =	sand.u32 @!p1 $0x380, s18  }
0x23: {  	s18 =	sand.u32 @!p1 $0x7F, s11;
	s16 =	sor.u32 @!p1 s17, s16  }
0x24: {  	s17 =	sor.u32 @!p1 s18, s16  }
0x25: {  	s18 =	smulhi.u32 @!p1 $0x218D6287, s17;
	_ =	sdelay $0x1  }
0x26: {  	s16 =	smulhi.u32 @!p1 $0x218D6287, s16;
	s18 =	sshrl.u32 @!p1 s18, $0x11  }
0x27: {  	s18 =	smul.u32 @!p1 $0xF4280, s18  }
0x28: {  	s19 =	sxor.u32 @!p1 $0xFFFFFFFF, s13;
	s16 =	sshrl.u32 @!p1 s16, $0x11  }
0x29: {  	s19 =	sshll.u32 @!p1 s19, $0xD;
	s16 =	sand.u32 @!p1 $0x3F, s16;
	s17 =	ssub.s32 @!p1 s17, s18  }
0x2a: {  	s16 =	smul.u32 @!p1 $0x1E850, s16;
	s18 =	sshrl.u32 @!p1 s17, $0x3;
	s17 =	sand.u32 @!p1 $0x7, s17  }
0x2b: {  	s19 =	sand.u32 @!p1 $0x2000, s19;
	s18 =	sadd.s32 @!p1 s2, s18;
	s17 =	sshll.u32 @!p1 s17, $0x12  }
0x2c: {  	s16 =	sadd.s32 @!p1 s16, s18;
	s17 =	sor.u32 @!p1 $0x400, s17;
	s18 =	simm.s32 @!p1 $0x7A1400  }
0x2d: {  	[tilespmem:s19], [sflag:$0x1] =	stream.strided.gather @!p1 [hbm4b:s16+s17], $0x2000, s18, s17, $0x38;
	[tilespmem:$0x8100] =	vst v63  }
0x2e: {  	p1 =	seq.s32 s13, $0x0  }
0x2f: {  	p2 =	sge.u32 @!p1 s13, s7  }
0x30: {  	p1 =	por p1, p2  }
.Ltmp2:
0x31: {  	_ = 	snop;
	(pc) =	sbr.rel @p1 .LBB1_5-.Ltmp2, $1  }
0x32: {  	_ =	sdelay $0x3  }
0x33: {  	s16 =	simm.s32 $0x1  }
0x34: {  	_ =	swait.ge [sflag:s4], $0x2000;
	s16 =	simm.s32 @!p0 $0x0  }
0x35: {  	[sflag:s4] =	ssyncset.done $0x0;
	s17 =	sshll.u32 s16, $0xD  }
0x36: {  	[sflag:s4] =	ssyncadd.s32 $0xFFFFE000;
	s17 =	sor.u32 $0x40, s17  }
0x37: {  	s16 =	smul.u32 $0x8200, s16;
	v0 =	vld [tilespmem:s17+$0x30]  }
0x38: {  	v1 =	vld [tilespmem:s17+$0xFFFFFFD0]  }
0x39: {  	s16 =	sshrl.u32 s16, $0x2;
	v5 =	vld [tilespmem:s17+$0xFFFFFFE0]  }
0x3a: {  	v6 =	vld [tilespmem:s17+$0xFFFFFFF0];
	s19 =	sor.u32 $0x4000, s16  }
0x3b: {  	s31 =	sand.u32 $0x1, s13;
	v4 =	vld [tilespmem:s17+$0x0];
	s18 =	sadd.s32 $0x0, s19  }
0x3c: {  	v3 =	vld [tilespmem:s17+$0x10];
	s16 =	smul.u32 $0x8200, s31;
	[tilespmem:s18+$0x1C70 ss:$0x41] =	vst.msk $0xffff, v0  }
0x3d: {  	v2 =	vld [tilespmem:s17+$0x20];
	[tilespmem:s18+$0x410 ss:$0x41] =	vst.msk $0xffff, v1  }
0x3e: {  	s16 =	sshrl.u32 s16, $0x2;
	v1 =	vld [tilespmem:s17+$0xFFFFFFC0];
	[tilespmem:s18+$0x820 ss:$0x41] =	vst.msk $0xffff, v5;
	s17 =	sadd.s32 $0x80, s17  }
0x3f: {  	s20 =	simm.s32 $0x4;
	s21 =	simm.s32 $0x8;
	s16 =	sor.u32 $0x4000, s16;
	[tilespmem:s18+$0xC30 ss:$0x41] =	vst.msk $0xffff, v6;
	v0 =	vld [tilespmem:s17+$0x30]  }
.LBB1_3:
0x40: {  	p1 =	sne.s32 s21, $0xFC;
	v5 =	vld [tilespmem:s17+$0xFFFFFFD0];
	[tilespmem:s18+$0x1040 ss:$0x41] =	vst.msk $0xffff, v4  }
0x41: {  	v6 =	vld [tilespmem:s17+$0xFFFFFFE0];
	[tilespmem:s18+$0x1450 ss:$0x41] =	vst.msk $0xffff, v3  }
0x42: {  	s22 =	sshra.s32 s20, $0x2;
	s20 =	smov.u32 s21;
	v7 =	vld [tilespmem:s17+$0xFFFFFFF0];
	[tilespmem:s18+$0x1860 ss:$0x41] =	vst.msk $0xffff, v2  }
.Ltmp3:
0x43: {  	v4 =	vld [tilespmem:s17+$0x0];
	[tilespmem:s18+$0x0 ss:$0x41] =	vst.msk $0xffff, v1;
	s18 =	sadd.s32 s22, s19;
	(pc) =	sbr.rel @p1 .LBB1_3-.Ltmp3, $4  }
0x44: {  	v3 =	vld [tilespmem:s17+$0x10];
	[tilespmem:s18+$0x1C70 ss:$0x41] =	vst.msk $0xffff, v0  }
0x45: {  	[tilespmem:s18+$0x410 ss:$0x41] =	vst.msk $0xffff, v5;
	v2 =	vld [tilespmem:s17+$0x20]  }
0x46: {  	v1 =	vld [tilespmem:s17+$0xFFFFFFC0];
	[tilespmem:s18+$0x820 ss:$0x41] =	vst.msk $0xffff, v6;
	s17 =	sadd.s32 $0x80, s17  }
0x47: {  	s21 =	sadd.s32 $0x4, s21;
	v0 =	vld [tilespmem:s17+$0x30];
	[tilespmem:s18+$0xC30 ss:$0x41] =	vst.msk $0xffff, v7  }
0x48: {  	s21 =	sshll.u32 s9, $0x7;
	s22 =	sshll.u32 s10, $0x3;
	s20 =	sshra.s32 s20, $0x2  }
0x49: {  	p1 =	sgt.s32 s9, $0xF41C0;
	s30 =	sshra.s32 s9, $0x1F;
	s25 =	sshra.s32 s10, $0x1F  }
0x4a: {  	v5 =	vld [tilespmem:s17+$0xFFFFFFD0];
	s28 =	sshrl.u32 s10, $0x3;
	s23 =	sand.u32 $0xFFFFFC00, s21;
	s22 =	sand.u32 $0xFFFFFC00, s22  }
0x4b: {  	[tilespmem:s18+$0x1040 ss:$0x41] =	vst.msk $0xffff, v4;
	v58 =	vld [tilespmem:s17+$0xFFFFFFE0];
	s21 =	sand.u32 $0x380, s21;
	s19 =	sadd.s32 s20, s19;
	s22 =	sadd.s32 s22, s23  }
0x4c: {  	v59 =	vld [tilespmem:s17+$0xFFFFFFF0];
	[tilespmem:s18+$0x1450 ss:$0x41] =	vst.msk $0xffff, v3;
	s29 =	sor.u32 s21, s22;
	s21 =	smov.u32 s9;
	s22 =	sand.u32 s30, s9  }
0x4d: {  	v60 =	vld [tilespmem:s17+$0x0];
	[tilespmem:s18+$0x1860 ss:$0x41] =	vst.msk $0xffff, v2;
	s30 =	sand.u32 $0x7, s10;
	s20 =	sshrl.u32 s29, $0x7;
	s21 =	simm.s32 @!p1 $0xF41C0  }
0x4e: {  	v61 =	vld [tilespmem:s17+$0x10];
	[tilespmem:s18+$0x0 ss:$0x41] =	vst.msk $0xffff, v1;
	p1 =	sgt.s32 s10, $0x40;
	s24 =	ssub.s32 s21, s22;
	s21 =	smov.u32 s10  }
0x4f: {  	v62 =	vld [tilespmem:s17+$0x20];
	[tilespmem:s19+$0x1C70 ss:$0x41] =	vst.msk $0xffff, v0;
	s31 =	smulhi.u32 $0x218DEF5, s20;
	s22 =	sand.u32 s25, s10;
	s21 =	simm.s32 @!p1 $0x40  }
0x50: {  	v63 =	vld [tilespmem:s17+$0xFFFFFFC0];
	[tilespmem:s19+$0x410 ss:$0x41] =	vst.msk $0xffff, v5;
	s26 =	sadd.s32 $0xFFF0BE40, s24;
	s17 =	ssub.s32 $0xF4240, s24;
	s21 =	ssub.s32 s21, s22  }
0x51: {  	[tilespmem:s19+$0x820 ss:$0x41] =	vst.msk $0xffff, v58;
	s23 =	sshrl.u32 s31, $0xD;
	p1 =	sgt.s32 s26, $0x7F;
	s27 =	sadd.s32 $0xFFFFFFC0, s21  }
0x52: {  	[tilespmem:s19+$0xC30 ss:$0x41] =	vst.msk $0xffff, v59;
	s23 =	smul.u32 $0xF4240, s23;
	s18 =	ssub.s32 $0x80, s21;
	p2 =	sgt.s32 s27, $0x3F  }
.Ltmp4:
0x53: {  	[tilespmem:s19+$0x1040 ss:$0x41] =	vst.msk $0xffff, v60;
	s17 =	simm.s32 @p1 $0x0;
	s18 =	simm.s32 @p2 $0x0;
	(pc) =	sbr.rel .LBB1_5-.Ltmp4, $4  }
0x54: {  	s29 =	sand.u32 $0xF, s28;
	[tilespmem:s19+$0x1450 ss:$0x41] =	vst.msk $0xffff, v61;
	s20 =	ssub.s32 s20, s23;
	s17 =	smul.u32 s18, s17  }
0x55: {  	[tilespmem:s19+$0x1860 ss:$0x41] =	vst.msk $0xffff, v62;
	s21 =	sshll.u32 s30, $0x12;
	s20 =	sshll.u32 s20, $0x4;
	s18 =	sadd.s32 s5, s29  }
0x56: {  	[tilespmem:s19+$0x0 ss:$0x41] =	vst.msk $0xffff, v63;
	s31 =	sor.u32 $0x40, s21;
	s18 =	sadd.s32 s20, s18;
	s17 =	sand.u32 $0x3FFFFFFF, s17  }
0x57: {  	[hbm4b:s18+s31] =	stream.strided.scatter [tilespmem:s16], [sflag:$0x2], s17, s8, s31, $0x18;
	[tilespmem:$0x8100] =	vst v63  }
.LBB1_6:
0x58: {  	_ =	sfence.sel $0x180000  }
0x59: {  	s2 =	simm.s32 $0x1;
	[bflag:$0x0] =	sbarrier.arrive $0xFFFF  }
0x5a: {  	s31 =	simm.s32 $0x2;
	[sflag:s2] =	ssyncpa.u1 $0x1  }
0x5b: {  	[sflag:s31] =	ssyncpa.u1 $0x1  }
0x5c: {  	p0 =	sne.s32 s1, $0x0;
	_ =	strace $0x90000047  }
0x5d: {  	s0 =	sadd.s32 @!p0 $0x100000, s0;
	[bflag:$0x2] =	sbarrier.arrive $0xFFFF  }
0x5e: {  	[sflag:s0] =	ssyncadd.tile.s32 @!p0 $0x1;
	_ =	shalt  }
.Lfunc_end1:
_tile_overlayer_lowered:
.L_overlay_start_2:
0x5f: {  	(tag) =	ssettag $0x2  }
0x60: {  	s0 =	rddreg [dreg:$0x0];
	s2 =	stileid.u32  }
0x61: {  	s1 =	rddreg [dreg:$0x1];
	p0 =	sne.s32 s2, $0x0  }
0x62: {  	s3 =	rddreg [dreg:$0x2];
	[bflag:$0x3] =	sbarrier.arrive $0xFFFF;
	s2 =	simm.s32 @!p0 $0x1C01  }
0x63: {  	[timem:s3], [sflag:s2] =	dma.local @!p0 [hbm:s0], s1  }
0x64: {  	s0 =	simm.s32 @!p0 $0x1  }
0x65: {  	_ =	swait.ge @!p0 [sflag:s0], s1  }
0x66: {  	s1 =	ssub.s32 @!p0 $0x0, s1;
	[sflag:s0] =	ssyncset.done @!p0 $0x0  }
0x67: {  	[sflag:s0] =	ssyncadd.s32 @!p0 s1  }
0x68: {  	[bflag:$0x3] =	sbarrier.arrive $0xFFFF  }
0x69: {  	_ =	shalt  }

// kernel: sparse-core-data-format-call.2.cloned.1.call-start
scs
called_computation.2_lowered:
.L_overlay_start_0:
0x0: {  	s2 =	sld [smem:$0x3FD9]  }
0x1: {  	s3 =	sld [smem:$0x3FFE];
	_ =	sdelay $0x1  }
0x2: {  	s1 =	srdreg.scid  }
0x3: {  	s0 =	sand.u32 $0x1, s1  }
0x4: {  	s18 =	sshll.u32 s0, $0xA;
	s2 =	sadd.s32 s3, s2  }
0x5: {  	s2 =	sadd.s32 s2, s18  }
0x6: {  	[smem:$0x3FC5] =	sst s2  }
0x7: {  	_ = 	snop  }
0x8: {  	(tm) =	ssettm $0x1  }
0x9: {  	s19 =	sld [smem:$0x3FFB];
	_ =	sdelay $0x3  }
0xa: {  	_ =	strace s19  }
0xb: {  	s2 =	sld [smem:$0x3FFC];
	_ =	sdelay $0x3  }
0xc: {  	_ =	strace s2  }
0xd: {  	s2 =	sld [smem:$0x3FFD];
	_ =	sdelay $0x3  }
0xe: {  	_ =	strace s2  }
0xf: {  	_ =	strace $0x8FFFFFFF  }
0x10: {  	s20 =	sld [smem:$0x3FDB];
	_ =	sdelay $0x1  }
0x11: {  	s21 =	simm.s32 $_scs_section_size  }
0x12: {  	s4 =	simm.s32 $_size__tile_overlayer_lowered;
	s5 =	simm.s32 $_tile_overlayer_lowered  }
0x13: {  	s6 =	simm.s32 $0x1BFF;
	s22 =	sshll.u32 s5, $0x1;
	s3 =	sadd.s32 s21, s20  }
0x14: {  	s23 =	simm.s32 $0x0;
	s4 =	sshll.u32 s4, $0x1;
	s5 =	sadd.s32 s22, s3  }
0x15: {  	[timem:s23], [sflag:s6] =	dma.local [hbm:s5], s4  }
0x16: {  	_ =	swait.ge [sflag:s6], s4  }
0x17: {  	s4 =	ssub.s32 $0x0, s4;
	[sflag:s6] =	ssyncset.done $0x0  }
0x18: {  	[sflag:s6] =	ssyncadd.s32 s4;
	_ =	sdelay $0x1  }
0x19: {  	s24 =	simm.s32 $0x1B8B  }
0x1a: {  	_ =	swait.ge [sflag:s24], $0x1  }
0x1b: {  	[sflag:s24] =	ssyncset.done $0x0  }
0x1c: {  	[sflag:s24] =	ssyncadd.s32 $0xFFFFFFFF  }
0x1d: {  	s4 =	sld [smem:$0x0]  }
0x1e: {  	s5 =	sand.u32 $0xFFFFFFFE, s1  }
0x1f: {  	p0 =	sne.s32 s1, s5  }
0x20: {  	s5 =	sshll.u32 @p0 s5, $0xE  }
0x21: {  	s5 =	sadd.s32 @p0 $0x11B8D, s5;
	s6 =	sshll.u32 @p0 s4, $0x11  }
0x22: {  	s5 =	sor.u32 @p0 s6, s5  }
0x23: {  	[sflag:s5] =	ssyncadd.remote.s32 @p0 $0x1;
	_ =	sdelay $0x1  }
0x24: {  	s5 =	simm.s32 @p0 $0x1B8D  }
0x25: {  	_ =	swait.eq @p0 [sflag:s5], $0x1  }
0x26: {  	[sflag:s5] =	ssyncadd.s32 @p0 $0xFFFFFFFF  }
0x27: {  	s6 =	sshll.u32 @!p0 s1, $0xE  }
0x28: {  	s6 =	sor.u32 @!p0 $0x4000, s6;
	s5 =	simm.s32 @!p0 $0x1B8D  }
0x29: {  	s4 =	sshll.u32 @!p0 s4, $0x11;
	s6 =	sadd.s32 @!p0 $0x11B8D, s6;
	_ =	swait.eq @!p0 [sflag:s5], $0x1  }
0x2a: {  	s4 =	sor.u32 @!p0 s4, s6;
	[sflag:s5] =	ssyncadd.s32 @!p0 $0xFFFFFFFF  }
0x2b: {  	s26 =	simm.s32 $0x1B8E;
	s25 =	sld [smem:$0x3FFE];
	[sflag:s4] =	ssyncadd.remote.s32 @!p0 $0x1  }
0x2c: {  	s27 =	simm.s32 $execute0_lowered;
	[smem:$0x3FD2] =	sst s26  }
0x2d: {  	s5 =	sshll.u32 s27, $0x1;
	_ =	strace $0x80000049;
	[dreg:$0x1] =	wrdreg $0xFFFFFFFF  }
0x2e: {  	s28 =	simm.s32 $_size_execute0_lowered;
	s3 =	sadd.s32 s3, s5;
	[dreg:$0x0] =	wrdreg $0x0  }
0x2f: {  	s5 =	sshll.u32 s28, $0x1;
	[dreg:$0x2] =	wrdreg s3  }
0x30: {  	[dreg:$0x3] =	wrdreg s5  }
0x31: {  	[dreg:$0x4] =	wrdreg $0xC0  }
0x32: {  	_ =	task [dreg:s23], $0x5FFFF  }
0x33: {  	[dreg:$0x1] =	wrdreg $0xFFFFFFFF  }
0x34: {  	[dreg:$0x0] =	wrdreg $0x60  }
0x35: {  	[dreg:$0x2] =	wrdreg s25  }
0x36: {  	[dreg:$0x3] =	wrdreg $0xA  }
0x37: {  	_ =	task.clear_ibuf [dreg:s23], $0x4FFFF;
	_ =	strace $0x90000049  }
0x38: {  	s29 =	simm.s32 $0xA;
	_ =	strace $0x8000004B  }
0x39: {  	_ =	swait.ge [sflag:s29], $0x1  }
0x3a: {  	[sflag:s29] =	ssyncadd.s32 $0xFFFFFFFF  }
0x3b: {  	_ =	strace $0x9000004B  }
0x3c: {  	_ =	sfence  }
0x3d: {  	s30 =	sld [smem:$0x0];
	_ =	sdelay $0x2  }
0x3e: {  	s31 =	sshll.u32 s1, $0xD;
	s1 =	sshrl.u32 s1, $0x2  }
0x3f: {  	s4 =	sand.u32 $0x4000, s31;
	s1 =	sadd.s32 s1, s30  }
0x40: {  	s0 =	sor.u32 s4, s0;
	s1 =	sshll.u32 s1, $0x11  }
0x41: {  	s0 =	sor.u32 s1, s0  }
0x42: {  	s0 =	sadd.s32 $0x8F2B, s0  }
0x43: {  	[sflag:s0] =	ssyncadd.remote.s32 $0x1  }
0x44: {  	_ =	sfence.sel $0xFFFF  }
0x45: {  	[dreg:$0x0] =	wrdreg $0xFFFFFFFF;
	(pc) =	sbr.abs _section_cstart, $3  }
0x46: {  	[dreg:$0x1] =	wrdreg $0xFFFFFFFF  }
0x47: {  	_ =	task.clear_ibuf [dreg:s23], $0x2FFFF;
	_ =	strace $0x9FFFFFFF  }
0x48: {  	(tm) =	ssettm $0x7FFFFFFF  }
0x49: {  	_ =	shalt  }
tec
execute0_lowered:
.L_overlay_start_1:
0x0: {  	(tag) =	ssettag $0x1  }
0x1: {  	s0 =	srdreg.scid  }
0x2: {  	s5 =	rddreg [dreg:$0x0];
	s1 =	stileid.u32;
	s4 =	simm.s32 $0x1  }
0x3: {  	s6 =	simm.s32 $0x2;
	s15 =	simm.s32 $0x0;
	p0 =	por $0x0, $0x0  }
0x4: {  	s8 =	simm.s32 $0x80;
	s14 =	simm.s32 $0x0;
	s2 =	sshll.u32 s0, $0x4  }
0x5: {  	s9 =	simm.s32 $0x0;
	s10 =	simm.s32 $0x0;
	s2 =	sand.u32 $0x10, s2  }
.Ltmp0:
0x6: {  	s12 =	simm.s32 $0x0;
	s3 =	sor.u32 s1, s2;
	(pc) =	sbr.rel .LBB1_1-.Ltmp0, $4  }
0x7: {  	s0 =	rddreg [dreg:$0x1];
	_ =	strace $0x8000004A;
	s3 =	sshll.u32 s3, $0x7  }
0x8: {  	s13 =	simm.s32 $0x0;
	[sflag:s4] =	ssyncpa.u1 $0x0;
	s7 =	ssub.s32 $0xF4200, s3  }
0x9: {  	s2 =	sadd.s32 $0x16E3800, s5;
	[sflag:s6] =	ssyncpa.u1 $0x0;
	s6 =	sshrl.u32 s7, $0xC  }
0xa: {  	s5 =	sadd.s32 $0x1E84C00, s5;
	s11 =	smov.u32 s3;
	s7 =	sadd.s32 $0x2, s6  }
.LBB1_5:
0xb: {  	p1 =	slt.u32 s13, $0x2  }
0xc: {  	s17 =	smov.u32 s15;
	p2 =	sgt.s32 @!p1 s15, $0xF41C0;
	s16 =	sshra.s32 @!p1 s15, $0x1F  }
0xd: {  	p3 =	sgt.s32 @!p1 s14, $0x40;
	s18 =	sshra.s32 @!p1 s14, $0x1F;
	p2 =	por !p2, p1  }
0xe: {  	s15 =	sand.u32 @!p1 s16, s15;
	p3 =	por !p3, p1;
	s16 =	smov.u32 s14  }
0xf: {  	s14 =	sand.u32 @!p1 s18, s14;
	s17 =	simm.s32 @p2 $0xF41C0;
	s16 =	simm.s32 @p3 $0x40  }
0x10: {  	s15 =	ssub.s32 @!p1 s17, s15;
	s14 =	ssub.s32 @!p1 s16, s14  }
0x11: {  	s18 =	smov.u32 s12;
	s16 =	sadd.s32 @!p1 $0xFFF0BE40, s15;
	s17 =	sadd.s32 @!p1 $0xFFFFFFC0, s14  }
0x12: {  	s15 =	ssub.s32 @!p1 $0xF4240, s15;
	p2 =	sgt.s32 @!p1 s16, $0x7F;
	p3 =	sgt.s32 @!p1 s17, $0x3F  }
0x13: {  	s14 =	ssub.s32 @!p1 $0x80, s14;
	p2 =	por !p2, p1;
	p3 =	por !p3, p1  }
0x14: {  	s16 =	sadd.s32 $0x1000, s11;
	s15 =	simm.s32 @!p2 $0x0;
	s14 =	simm.s32 @!p3 $0x0  }
0x15: {  	p2 =	sgt.s32 s16, $0xF423F;
	s14 =	smul.u32 @!p1 s14, s15;
	s15 =	sadd.s32 $0x40, s12  }
0x16: {  	s18 =	smov.u32 @p2 s15  }
0x17: {  	s16 =	smov.u32 @p2 s3;
	p2 =	sgt.s32 s18, $0x3F  }
0x18: {  	s18 =	simm.s32 @p2 $0x0;
	p2 =	sne.s32 s13, s7  }
.Ltmp1:
0x19: {  	p0 =	por !p0, !p0;
	s17 =	simm.s32 @!p1 $0x2;
	(pc) =	sbr.rel @!p2 .LBB1_6-.Ltmp1, $4  }
0x1a: {  	s15 =	smov.u32 s9;
	s9 =	smov.u32 s11;
	s14 =	sand.u32 @!p1 $0x3FFFFFFF, s14  }
0x1b: {  	s11 =	smov.u32 s16;
	_ =	swait.ge @!p1 [sflag:s17], s14;
	s19 =	ssub.s32 @!p1 $0x0, s14  }
0x1c: {  	s14 =	smov.u32 s10;
	s13 =	sadd.s32 $0x1, s13;
	[sflag:s17] =	ssyncset.done @!p1 $0x0  }
0x1d: {  	s10 =	smov.u32 s12;
	s12 =	smov.u32 s18;
	[sflag:s17] =	ssyncadd.s32 @!p1 s19  }
.LBB1_1:
0x1e: {  	p1 =	sgt.u32 s13, s6  }
0x1f: {  	s16 =	sshrl.u32 @!p1 s12, $0x3  }
0x20: {  	s17 =	sshll.u32 @!p1 s11, $0x3;
	s16 =	smul.u32 @!p1 $0x7A1400, s16  }
0x21: {  	s18 =	sshll.u32 @!p1 s12, $0x7;
	s17 =	sand.u32 @!p1 $0xFFFFFC00, s17  }
0x22: {  	s16 =	sadd.s32 @!p1 s16, s17;
	s17 =	sand.u32 @!p1 $0x380, s18  }
0x23: {  	s18 =	sand.u32 @!p1 $0x7F, s11;
	s16 =	sor.u32 @!p1 s17, s16  }
0x24: {  	s17 =	sor.u32 @!p1 s18, s16  }
0x25: {  	s18 =	smulhi.u32 @!p1 $0x218D6287, s17;
	_ =	sdelay $0x1  }
0x26: {  	s16 =	smulhi.u32 @!p1 $0x218D6287, s16;
	s18 =	sshrl.u32 @!p1 s18, $0x11  }
0x27: {  	s18 =	smul.u32 @!p1 $0xF4280, s18  }
0x28: {  	s19 =	sxor.u32 @!p1 $0xFFFFFFFF, s13;
	s16 =	sshrl.u32 @!p1 s16, $0x11  }
0x29: {  	s19 =	sshll.u32 @!p1 s19, $0xD;
	s16 =	sand.u32 @!p1 $0x3F, s16;
	s17 =	ssub.s32 @!p1 s17, s18  }
0x2a: {  	s16 =	smul.u32 @!p1 $0x1E850, s16;
	s18 =	sshrl.u32 @!p1 s17, $0x3;
	s17 =	sand.u32 @!p1 $0x7, s17  }
0x2b: {  	s19 =	sand.u32 @!p1 $0x2000, s19;
	s18 =	sadd.s32 @!p1 s2, s18;
	s17 =	sshll.u32 @!p1 s17, $0x12  }
0x2c: {  	s16 =	sadd.s32 @!p1 s16, s18;
	s17 =	sor.u32 @!p1 $0x400, s17;
	s18 =	simm.s32 @!p1 $0x7A1400  }
0x2d: {  	[tilespmem:s19], [sflag:$0x1] =	stream.strided.gather @!p1 [hbm4b:s16+s17], $0x2000, s18, s17, $0x38;
	[tilespmem:$0x8100] =	vst v63  }
0x2e: {  	p1 =	seq.s32 s13, $0x0  }
0x2f: {  	p2 =	sge.u32 @!p1 s13, s7  }
0x30: {  	p1 =	por p1, p2  }
.Ltmp2:
0x31: {  	_ = 	snop;
	(pc) =	sbr.rel @p1 .LBB1_5-.Ltmp2, $1  }
0x32: {  	_ =	sdelay $0x3  }
0x33: {  	s16 =	simm.s32 $0x1  }
0x34: {  	_ =	swait.ge [sflag:s4], $0x2000;
	s16 =	simm.s32 @!p0 $0x0  }
0x35: {  	[sflag:s4] =	ssyncset.done $0x0;
	s17 =	sshll.u32 s16, $0xD  }
0x36: {  	[sflag:s4] =	ssyncadd.s32 $0xFFFFE000;
	s17 =	sor.u32 $0x40, s17  }
0x37: {  	s16 =	smul.u32 $0x8200, s16;
	v0 =	vld [tilespmem:s17+$0x30]  }
0x38: {  	v1 =	vld [tilespmem:s17+$0xFFFFFFD0]  }
0x39: {  	s16 =	sshrl.u32 s16, $0x2;
	v5 =	vld [tilespmem:s17+$0xFFFFFFE0]  }
0x3a: {  	v6 =	vld [tilespmem:s17+$0xFFFFFFF0];
	s19 =	sor.u32 $0x4000, s16  }
0x3b: {  	s31 =	sand.u32 $0x1, s13;
	v4 =	vld [tilespmem:s17+$0x0];
	s18 =	sadd.s32 $0x0, s19  }
0x3c: {  	v3 =	vld [tilespmem:s17+$0x10];
	s16 =	smul.u32 $0x8200, s31;
	[tilespmem:s18+$0x1C70 ss:$0x41] =	vst.msk $0xffff, v0  }
0x3d: {  	v2 =	vld [tilespmem:s17+$0x20];
	[tilespmem:s18+$0x410 ss:$0x41] =	vst.msk $0xffff, v1  }
0x3e: {  	s16 =	sshrl.u32 s16, $0x2;
	v1 =	vld [tilespmem:s17+$0xFFFFFFC0];
	[tilespmem:s18+$0x820 ss:$0x41] =	vst.msk $0xffff, v5;
	s17 =	sadd.s32 $0x80, s17  }
0x3f: {  	s20 =	simm.s32 $0x4;
	s21 =	simm.s32 $0x8;
	s16 =	sor.u32 $0x4000, s16;
	[tilespmem:s18+$0xC30 ss:$0x41] =	vst.msk $0xffff, v6;
	v0 =	vld [tilespmem:s17+$0x30]  }
.LBB1_3:
0x40: {  	p1 =	sne.s32 s21, $0xFC;
	v5 =	vld [tilespmem:s17+$0xFFFFFFD0];
	[tilespmem:s18+$0x1040 ss:$0x41] =	vst.msk $0xffff, v4  }
0x41: {  	v6 =	vld [tilespmem:s17+$0xFFFFFFE0];
	[tilespmem:s18+$0x1450 ss:$0x41] =	vst.msk $0xffff, v3  }
0x42: {  	s22 =	sshra.s32 s20, $0x2;
	s20 =	smov.u32 s21;
	v7 =	vld [tilespmem:s17+$0xFFFFFFF0];
	[tilespmem:s18+$0x1860 ss:$0x41] =	vst.msk $0xffff, v2  }
.Ltmp3:
0x43: {  	v4 =	vld [tilespmem:s17+$0x0];
	[tilespmem:s18+$0x0 ss:$0x41] =	vst.msk $0xffff, v1;
	s18 =	sadd.s32 s22, s19;
	(pc) =	sbr.rel @p1 .LBB1_3-.Ltmp3, $4  }
0x44: {  	v3 =	vld [tilespmem:s17+$0x10];
	[tilespmem:s18+$0x1C70 ss:$0x41] =	vst.msk $0xffff, v0  }
0x45: {  	[tilespmem:s18+$0x410 ss:$0x41] =	vst.msk $0xffff, v5;
	v2 =	vld [tilespmem:s17+$0x20]  }
0x46: {  	v1 =	vld [tilespmem:s17+$0xFFFFFFC0];
	[tilespmem:s18+$0x820 ss:$0x41] =	vst.msk $0xffff, v6;
	s17 =	sadd.s32 $0x80, s17  }
0x47: {  	s21 =	sadd.s32 $0x4, s21;
	v0 =	vld [tilespmem:s17+$0x30];
	[tilespmem:s18+$0xC30 ss:$0x41] =	vst.msk $0xffff, v7  }
0x48: {  	s21 =	sshll.u32 s9, $0x7;
	s22 =	sshll.u32 s10, $0x3;
	s20 =	sshra.s32 s20, $0x2  }
0x49: {  	p1 =	sgt.s32 s9, $0xF41C0;
	s30 =	sshra.s32 s9, $0x1F;
	s25 =	sshra.s32 s10, $0x1F  }
0x4a: {  	v5 =	vld [tilespmem:s17+$0xFFFFFFD0];
	s28 =	sshrl.u32 s10, $0x3;
	s23 =	sand.u32 $0xFFFFFC00, s21;
	s22 =	sand.u32 $0xFFFFFC00, s22  }
0x4b: {  	[tilespmem:s18+$0x1040 ss:$0x41] =	vst.msk $0xffff, v4;
	v58 =	vld [tilespmem:s17+$0xFFFFFFE0];
	s21 =	sand.u32 $0x380, s21;
	s19 =	sadd.s32 s20, s19;
	s22 =	sadd.s32 s22, s23  }
0x4c: {  	v59 =	vld [tilespmem:s17+$0xFFFFFFF0];
	[tilespmem:s18+$0x1450 ss:$0x41] =	vst.msk $0xffff, v3;
	s29 =	sor.u32 s21, s22;
	s21 =	smov.u32 s9;
	s22 =	sand.u32 s30, s9  }
0x4d: {  	v60 =	vld [tilespmem:s17+$0x0];
	[tilespmem:s18+$0x1860 ss:$0x41] =	vst.msk $0xffff, v2;
	s30 =	sand.u32 $0x7, s10;
	s20 =	sshrl.u32 s29, $0x7;
	s21 =	simm.s32 @!p1 $0xF41C0  }
0x4e: {  	v61 =	vld [tilespmem:s17+$0x10];
	[tilespmem:s18+$0x0 ss:$0x41] =	vst.msk $0xffff, v1;
	p1 =	sgt.s32 s10, $0x40;
	s24 =	ssub.s32 s21, s22;
	s21 =	smov.u32 s10  }
0x4f: {  	v62 =	vld [tilespmem:s17+$0x20];
	[tilespmem:s19+$0x1C70 ss:$0x41] =	vst.msk $0xffff, v0;
	s31 =	smulhi.u32 $0x218DEF5, s20;
	s22 =	sand.u32 s25, s10;
	s21 =	simm.s32 @!p1 $0x40  }
0x50: {  	v63 =	vld [tilespmem:s17+$0xFFFFFFC0];
	[tilespmem:s19+$0x410 ss:$0x41] =	vst.msk $0xffff, v5;
	s26 =	sadd.s32 $0xFFF0BE40, s24;
	s17 =	ssub.s32 $0xF4240, s24;
	s21 =	ssub.s32 s21, s22  }
0x51: {  	[tilespmem:s19+$0x820 ss:$0x41] =	vst.msk $0xffff, v58;
	s23 =	sshrl.u32 s31, $0xD;
	p1 =	sgt.s32 s26, $0x7F;
	s27 =	sadd.s32 $0xFFFFFFC0, s21  }
0x52: {  	[tilespmem:s19+$0xC30 ss:$0x41] =	vst.msk $0xffff, v59;
	s23 =	smul.u32 $0xF4240, s23;
	s18 =	ssub.s32 $0x80, s21;
	p2 =	sgt.s32 s27, $0x3F  }
.Ltmp4:
0x53: {  	[tilespmem:s19+$0x1040 ss:$0x41] =	vst.msk $0xffff, v60;
	s17 =	simm.s32 @p1 $0x0;
	s18 =	simm.s32 @p2 $0x0;
	(pc) =	sbr.rel .LBB1_5-.Ltmp4, $4  }
0x54: {  	s29 =	sand.u32 $0xF, s28;
	[tilespmem:s19+$0x1450 ss:$0x41] =	vst.msk $0xffff, v61;
	s20 =	ssub.s32 s20, s23;
	s17 =	smul.u32 s18, s17  }
0x55: {  	[tilespmem:s19+$0x1860 ss:$0x41] =	vst.msk $0xffff, v62;
	s21 =	sshll.u32 s30, $0x12;
	s20 =	sshll.u32 s20, $0x4;
	s18 =	sadd.s32 s5, s29  }
0x56: {  	[tilespmem:s19+$0x0 ss:$0x41] =	vst.msk $0xffff, v63;
	s31 =	sor.u32 $0x40, s21;
	s18 =	sadd.s32 s20, s18;
	s17 =	sand.u32 $0x3FFFFFFF, s17  }
0x57: {  	[hbm4b:s18+s31] =	stream.strided.scatter [tilespmem:s16], [sflag:$0x2], s17, s8, s31, $0x18;
	[tilespmem:$0x8100] =	vst v63  }
.LBB1_6:
0x58: {  	_ =	sfence.sel $0x180000  }
0x59: {  	s2 =	simm.s32 $0x1;
	[bflag:$0x0] =	sbarrier.arrive $0xFFFF  }
0x5a: {  	s31 =	simm.s32 $0x2;
	[sflag:s2] =	ssyncpa.u1 $0x1  }
0x5b: {  	[sflag:s31] =	ssyncpa.u1 $0x1  }
0x5c: {  	p0 =	sne.s32 s1, $0x0;
	_ =	strace $0x9000004A  }
0x5d: {  	s0 =	sadd.s32 @!p0 $0x100000, s0;
	[bflag:$0x2] =	sbarrier.arrive $0xFFFF  }
0x5e: {  	[sflag:s0] =	ssyncadd.tile.s32 @!p0 $0x1;
	_ =	shalt  }
.Lfunc_end1:
_tile_overlayer_lowered:
.L_overlay_start_2:
0x5f: {  	(tag) =	ssettag $0x2  }
0x60: {  	s0 =	rddreg [dreg:$0x0];
	s2 =	stileid.u32  }
0x61: {  	s1 =	rddreg [dreg:$0x1];
	p0 =	sne.s32 s2, $0x0  }
0x62: {  	s3 =	rddreg [dreg:$0x2];
	[bflag:$0x3] =	sbarrier.arrive $0xFFFF;
	s2 =	simm.s32 @!p0 $0x1C01  }
0x63: {  	[timem:s3], [sflag:s2] =	dma.local @!p0 [hbm:s0], s1  }
0x64: {  	s0 =	simm.s32 @!p0 $0x1  }
0x65: {  	_ =	swait.ge @!p0 [sflag:s0], s1  }
0x66: {  	s1 =	ssub.s32 @!p0 $0x0, s1;
	[sflag:s0] =	ssyncset.done @!p0 $0x0  }
0x67: {  	[sflag:s0] =	ssyncadd.s32 @!p0 s1  }
0x68: {  	[bflag:$0x3] =	sbarrier.arrive $0xFFFF  }
0x69: {  	_ =	shalt  }

// kernel: sparse-core-data-format-call.cloned.1.call-start
scs
called_computation_lowered:
.L_overlay_start_0:
0x0: {  	s1 =	sld [smem:$0x3FD9]  }
0x1: {  	s2 =	sld [smem:$0x3FFE];
	_ =	sdelay $0x1  }
0x2: {  	s3 =	srdreg.scid  }
0x3: {  	s0 =	sand.u32 $0x1, s3  }
0x4: {  	s17 =	sshll.u32 s0, $0xA;
	s1 =	sadd.s32 s2, s1  }
0x5: {  	s1 =	sadd.s32 s1, s17  }
0x6: {  	[smem:$0x3FC5] =	sst s1  }
0x7: {  	_ = 	snop  }
0x8: {  	(tm) =	ssettm $0x1  }
0x9: {  	s18 =	sld [smem:$0x3FFB];
	_ =	sdelay $0x3  }
0xa: {  	_ =	strace s18  }
0xb: {  	s1 =	sld [smem:$0x3FFC];
	_ =	sdelay $0x3  }
0xc: {  	_ =	strace s1  }
0xd: {  	s1 =	sld [smem:$0x3FFD];
	_ =	sdelay $0x3  }
0xe: {  	_ =	strace s1  }
0xf: {  	_ =	strace $0x8FFFFFFF  }
0x10: {  	s19 =	sld [smem:$0x3FDB];
	_ =	sdelay $0x1  }
0x11: {  	s20 =	simm.s32 $_scs_section_size  }
0x12: {  	s4 =	simm.s32 $_size__tile_overlayer_lowered;
	s5 =	simm.s32 $_tile_overlayer_lowered  }
0x13: {  	s23 =	simm.s32 $0x1BFF;
	s22 =	sshll.u32 s5, $0x1;
	s1 =	sadd.s32 s20, s19  }
0x14: {  	s6 =	simm.s32 $0x0;
	s21 =	sshll.u32 s4, $0x1;
	s4 =	sadd.s32 s22, s1  }
0x15: {  	[timem:s6], [sflag:s23] =	dma.local [hbm:s4], s21  }
0x16: {  	_ =	swait.ge [sflag:s23], s21  }
0x17: {  	s2 =	ssub.s32 $0x0, s21;
	[sflag:s23] =	ssyncset.done $0x0  }
0x18: {  	[sflag:s23] =	ssyncadd.s32 s2;
	_ =	sdelay $0x1  }
0x19: {  	s24 =	simm.s32 $0x1B8B  }
0x1a: {  	_ =	swait.ge [sflag:s24], $0x1  }
0x1b: {  	[sflag:s24] =	ssyncset.done $0x0  }
0x1c: {  	s26 =	simm.s32 $0x1B8E;
	s25 =	sld [smem:$0x3FFE];
	[sflag:s24] =	ssyncadd.s32 $0xFFFFFFFF  }
0x1d: {  	s27 =	simm.s32 $execute0_lowered;
	[smem:$0x3FD2] =	sst s26  }
0x1e: {  	s4 =	sshll.u32 s27, $0x1;
	_ =	strace $0x80000052;
	[dreg:$0x1] =	wrdreg $0xFFFFFFFF  }
0x1f: {  	s28 =	simm.s32 $_size_execute0_lowered;
	s1 =	sadd.s32 s1, s4;
	[dreg:$0x0] =	wrdreg $0x0  }
0x20: {  	s4 =	sshll.u32 s28, $0x1;
	[dreg:$0x2] =	wrdreg s1  }
0x21: {  	[dreg:$0x3] =	wrdreg s4  }
0x22: {  	[dreg:$0x4] =	wrdreg $0xC0  }
0x23: {  	_ =	task [dreg:s6], $0x5FFFF  }
0x24: {  	[dreg:$0x1] =	wrdreg $0xFFFFFFFF  }
0x25: {  	[dreg:$0x0] =	wrdreg $0x60  }
0x26: {  	[dreg:$0x2] =	wrdreg s25  }
0x27: {  	[dreg:$0x3] =	wrdreg $0x9  }
0x28: {  	_ =	task.clear_ibuf [dreg:s6], $0x4FFFF;
	_ =	strace $0x90000052  }
0x29: {  	s29 =	simm.s32 $0x9;
	_ =	strace $0x80000054  }
0x2a: {  	_ =	swait.ge [sflag:s29], $0x1  }
0x2b: {  	[sflag:s29] =	ssyncadd.s32 $0xFFFFFFFF  }
0x2c: {  	_ =	strace $0x90000054  }
0x2d: {  	_ =	sfence  }
0x2e: {  	s30 =	sld [smem:$0x0];
	_ =	sdelay $0x2  }
0x2f: {  	s31 =	sshll.u32 s3, $0xD;
	s3 =	sshrl.u32 s3, $0x2  }
0x30: {  	s2 =	sand.u32 $0x4000, s31;
	s1 =	sadd.s32 s3, s30  }
0x31: {  	s0 =	sor.u32 s2, s0;
	s1 =	sshll.u32 s1, $0x11  }
0x32: {  	s0 =	sor.u32 s1, s0  }
0x33: {  	s0 =	sadd.s32 $0x8F2B, s0  }
0x34: {  	[sflag:s0] =	ssyncadd.remote.s32 $0x1  }
0x35: {  	_ =	sfence.sel $0xFFFF  }
0x36: {  	[dreg:$0x0] =	wrdreg $0xFFFFFFFF;
	(pc) =	sbr.abs _section_cstart, $3  }
0x37: {  	[dreg:$0x1] =	wrdreg $0xFFFFFFFF  }
0x38: {  	_ =	task.clear_ibuf [dreg:s6], $0x2FFFF;
	_ =	strace $0x9FFFFFFF  }
0x39: {  	(tm) =	ssettm $0x7FFFFFFF  }
tec
execute0_lowered:
.L_overlay_start_1:
0x0: {  	(tag) =	ssettag $0x1  }
0x1: {  	s0 =	srdreg.scid;
	s2 =	rddreg [dreg:$0x0]  }
0x2: {  	s1 =	stileid.u32;
	s5 =	simm.s32 $0x1;
	s0 =	sshll.u32 s0, $0x4  }
0x3: {  	s7 =	simm.s32 $0x2;
	s11 =	simm.s32 $0x0;
	s3 =	sand.u32 $0x10, s0  }
.Ltmp0:
0x4: {  	p0 =	por $0x0, $0x0;
	s3 =	sor.u32 s1, s3;
	(pc) =	sbr.rel .LBB1_1-.Ltmp0, $4  }
0x5: {  	s8 =	simm.s32 $0x7A1400;
	s10 =	simm.s32 $0x0;
	s3 =	sshll.u32 s3, $0x7  }
0x6: {  	s0 =	rddreg [dreg:$0x1];
	_ =	strace $0x80000053;
	s6 =	ssub.s32 $0xF4200, s3  }
0x7: {  	s4 =	sadd.s32 $0xF42400, s2;
	[sflag:s5] =	ssyncpa.u1 $0x0;
	s6 =	sshrl.u32 s6, $0xC  }
0x8: {  	[sflag:s7] =	ssyncpa.u1 $0x0;
	s9 =	smov.u32 s3;
	s7 =	sadd.s32 $0x2, s6  }
.LBB1_5:
0x9: {  	s13 =	sadd.s32 $0x1000, s9  }
0xa: {  	p2 =	sgt.s32 s13, $0xF423F  }
0xb: {  	s13 =	smov.u32 @p2 s3;
	p2 =	sne.s32 s10, s7  }
.Ltmp1:
0xc: {  	p1 =	slt.u32 s10, $0x2;
	(pc) =	sbr.rel @!p2 .LBB1_6-.Ltmp1, $4  }
0xd: {  	s12 =	simm.s32 @!p1 $0x2  }
0xe: {  	s14 =	sadd.s32 $0x1, s10;
	_ =	swait.ge @!p1 [sflag:s12], $0x2000  }
0xf: {  	s11 =	smov.u32 s9;
	p0 =	por !p0, !p0;
	[sflag:s12] =	ssyncset.done @!p1 $0x0  }
0x10: {  	s10 =	smov.u32 s14;
	s9 =	smov.u32 s13;
	[sflag:s12] =	ssyncadd.s32 @!p1 $0xFFFFE000  }
.LBB1_1:
0x11: {  	p1 =	sgt.u32 s10, s6  }
0x12: {  	s13 =	smov.u32 s9;
	p2 =	sgt.s32 @!p1 s9, $0xF41C0  }
0x13: {  	s12 =	sand.u32 @!p1 $0x1FFFFFF, s9;
	s14 =	sshra.s32 @!p1 s9, $0x1F;
	p2 =	por !p2, p1  }
0x14: {  	s15 =	smulhi.u32 @!p1 $0x218DEF5, s12;
	s14 =	sand.u32 @!p1 s14, s9;
	s13 =	simm.s32 @p2 $0xF41C0  }
0x15: {  	s13 =	ssub.s32 @!p1 s13, s14  }
0x16: {  	s14 =	sshrl.u32 @!p1 s15, $0xD;
	s13 =	sadd.s32 @!p1 $0xFFF0BE40, s13  }
0x17: {  	s15 =	sxor.u32 @!p1 $0xFFFFFFFF, s10;
	s14 =	smul.u32 @!p1 $0xF4240, s14;
	s16 =	sshll.u32 @!p1 s13, $0x8  }
0x18: {  	s15 =	sshll.u32 @!p1 s15, $0xD;
	p2 =	sgt.s32 @!p1 s13, $0x7F;
	s13 =	ssub.s32 @!p1 $0x8000, s16  }
0x19: {  	s12 =	ssub.s32 @!p1 s12, s14;
	p2 =	por !p2, p1;
	s14 =	sand.u32 @!p1 $0x2000, s15  }
0x1a: {  	s15 =	simm.s32 @!p1 $0x40;
	s13 =	sshrl.u32 @!p1 s13, $0x2;
	s12 =	sshll.u32 @!p1 s12, $0x4  }
0x1b: {  	s16 =	simm.s32 @!p1 $0x80;
	s13 =	simm.s32 @!p2 $0x0;
	s12 =	sadd.s32 @!p1 s4, s12  }
0x1c: {  	[tilespmem:s14], [sflag:$0x1] =	stream.strided.gather @!p1 [hbm4b:s12+s15], s13, s16, s15, $0x38;
	[tilespmem:$0x8080] =	vst v63  }
0x1d: {  	p1 =	seq.s32 s10, $0x0  }
0x1e: {  	p2 =	sge.u32 @!p1 s10, s7  }
0x1f: {  	p1 =	por p1, p2  }
.Ltmp2:
0x20: {  	_ = 	snop;
	(pc) =	sbr.rel @p1 .LBB1_5-.Ltmp2, $1  }
0x21: {  	_ =	sdelay $0x3  }
0x22: {  	p1 =	sgt.s32 s11, $0xF41C0;
	s12 =	smov.u32 s11;
	s13 =	sshra.s32 s11, $0x1F  }
0x23: {  	s12 =	simm.s32 @!p1 $0xF41C0;
	s13 =	sand.u32 s13, s11  }
0x24: {  	s12 =	ssub.s32 s12, s13  }
0x25: {  	s12 =	sadd.s32 $0xFFF0BE40, s12  }
0x26: {  	s28 =	sshll.u32 s12, $0x8  }
0x27: {  	s13 =	ssub.s32 $0x8000, s28  }
0x28: {  	p1 =	sgt.s32 s12, $0x7F;
	s12 =	sshrl.u32 s13, $0x2  }
0x29: {  	s13 =	simm.s32 $0x1;
	s12 =	simm.s32 @p1 $0x0  }
0x2a: {  	s13 =	simm.s32 @!p0 $0x0;
	_ =	swait.ge [sflag:s5], s12  }
0x2b: {  	s14 =	sshll.u32 s13, $0xD;
	s12 =	ssub.s32 $0x0, s12;
	[sflag:s5] =	ssyncset.done $0x0  }
0x2c: {  	s16 =	sor.u32 $0x20, s14;
	[sflag:s5] =	ssyncadd.s32 s12  }
0x2d: {  	s29 =	smul.u32 $0x8100, s13;
	v3 =	vld [tilespmem:s16+$0x10]  }
0x2e: {  	s30 =	sand.u32 $0x1, s10;
	v2 =	vld [tilespmem:s16+$0xFFFFFFF0]  }
0x2f: {  	s13 =	smul.u32 $0x8100, s30;
	s12 =	sshrl.u32 s29, $0x2;
	v0 =	vld [tilespmem:s16+$0x0]  }
0x30: {  	s14 =	sor.u32 $0x4000, s12;
	v1 =	vld [tilespmem:s16+$0xFFFFFFE0]  }
0x31: {  	s31 =	sshrl.u32 s13, $0x2;
	s13 =	sadd.s32 $0x0, s14  }
0x32: {  	s15 =	simm.s32 $0x4;
	s12 =	sor.u32 $0x4000, s31;
	s16 =	sadd.s32 $0x40, s16;
	[tilespmem:s13+$0x1830 ss:$0x81] =	vst.msk $0xffff, v3  }
.LBB1_3:
0x33: {  	v3 =	vld [tilespmem:s16+$0x10];
	p1 =	sne.s32 s15, $0x1FC;
	[tilespmem:s13+$0x810 ss:$0x81] =	vst.msk $0xffff, v2;
	s17 =	smov.u32 s15;
	s15 =	sadd.s32 $0x4, s15  }
.Ltmp3:
0x34: {  	v2 =	vld [tilespmem:s16+$0xFFFFFFF0];
	[tilespmem:s13+$0x1020 ss:$0x81] =	vst.msk $0xffff, v0;
	(pc) =	sbr.rel @p1 .LBB1_3-.Ltmp3, $4  }
0x35: {  	v0 =	vld [tilespmem:s16+$0x0];
	[tilespmem:s13+$0x0 ss:$0x81] =	vst.msk $0xffff, v1  }
0x36: {  	s13 =	sshra.s32 s17, $0x2;
	v1 =	vld [tilespmem:s16+$0xFFFFFFE0]  }
0x37: {  	s13 =	sadd.s32 s13, s14  }
0x38: {  	s16 =	sadd.s32 $0x40, s16;
	[tilespmem:s13+$0x1830 ss:$0x81] =	vst.msk $0xffff, v3  }
0x39: {  	s14 =	sshll.u32 s11, $0x3  }
0x3a: {  	s30 =	sand.u32 $0x7F, s11;
	s14 =	sand.u32 $0xFFFFFC00, s14  }
0x3b: {  	s11 =	sor.u32 s30, s14  }
0x3c: {  	s15 =	smulhi.u32 $0x218D6287, s11;
	_ =	sdelay $0x1  }
0x3d: {  	s14 =	smulhi.u32 $0x218D6287, s14;
	s15 =	sshrl.u32 s15, $0x11  }
0x3e: {  	s15 =	smul.u32 $0xF4280, s15  }
0x3f: {  	s14 =	sshrl.u32 s14, $0x11  }
.Ltmp4:
0x40: {  	s14 =	sand.u32 $0x3F, s14;
	s11 =	ssub.s32 s11, s15;
	(pc) =	sbr.rel .LBB1_5-.Ltmp4, $4  }
0x41: {  	[tilespmem:s13+$0x810 ss:$0x81] =	vst.msk $0xffff, v2;
	s14 =	smul.u32 $0x1E850, s14;
	s15 =	sshrl.u32 s11, $0x3;
	s11 =	sand.u32 $0x7, s11  }
0x42: {  	[tilespmem:s13+$0x1020 ss:$0x81] =	vst.msk $0xffff, v0;
	s15 =	sadd.s32 s2, s15;
	s11 =	sshll.u32 s11, $0x12  }
0x43: {  	[tilespmem:s13+$0x0 ss:$0x81] =	vst.msk $0xffff, v1;
	s31 =	sadd.s32 s14, s15;
	s11 =	sor.u32 $0x400, s11  }
0x44: {  	[hbm4b:s31+s11] =	stream.strided.scatter [tilespmem:s12], [sflag:$0x2], $0x2000, s8, s11, $0x20;
	[tilespmem:$0x8080] =	vst v63  }
.LBB1_6:
0x45: {  	_ =	sfence.sel $0x180000  }
0x46: {  	s2 =	simm.s32 $0x1;
	[bflag:$0x0] =	sbarrier.arrive $0xFFFF  }
0x47: {  	s31 =	simm.s32 $0x2;
	[sflag:s2] =	ssyncpa.u1 $0x1  }
0x48: {  	[sflag:s31] =	ssyncpa.u1 $0x1  }
0x49: {  	p0 =	sne.s32 s1, $0x0;
	_ =	strace $0x90000053  }
0x4a: {  	s0 =	sadd.s32 @!p0 $0x100000, s0;
	[bflag:$0x2] =	sbarrier.arrive $0xFFFF  }
0x4b: {  	[sflag:s0] =	ssyncadd.tile.s32 @!p0 $0x1;
	_ =	shalt  }
.Lfunc_end1:
_tile_overlayer_lowered:
.L_overlay_start_2:
0x4c: {  	(tag) =	ssettag $0x2  }
0x4d: {  	s0 =	rddreg [dreg:$0x0];
	s2 =	stileid.u32  }
0x4e: {  	s1 =	rddreg [dreg:$0x1];
	p0 =	sne.s32 s2, $0x0  }
0x4f: {  	s3 =	rddreg [dreg:$0x2];
	[bflag:$0x3] =	sbarrier.arrive $0xFFFF;
	s2 =	simm.s32 @!p0 $0x1C01  }
0x50: {  	[timem:s3], [sflag:s2] =	dma.local @!p0 [hbm:s0], s1  }
0x51: {  	s0 =	simm.s32 @!p0 $0x1  }
0x52: {  	_ =	swait.ge @!p0 [sflag:s0], s1  }
0x53: {  	s1 =	ssub.s32 @!p0 $0x0, s1;
	[sflag:s0] =	ssyncset.done @!p0 $0x0  }
0x54: {  	[sflag:s0] =	ssyncadd.s32 @!p0 s1  }
0x55: {  	[bflag:$0x3] =	sbarrier.arrive $0xFFFF  }
0x56: {  	_ =	shalt  }

</sc_bundles>
